<compile_context>
chip_gen: v7x
topology: tpu7x:2x2x1
jax: 0.10.2.dev20260603
libtpu: 0.0.44.dev20260713+nightly
codegen_flags: <defaults>
</compile_context>

<pallas_src>
import dataclasses
import functools

import jax
import jax.numpy as jnp
from jax import lax
from jax.experimental import pallas as pl
from jax.experimental.pallas import tpu as pltpu
from jax.experimental.pallas import tpu_sc as plsc

_NC = 2
_NS = 16
_NW = _NC * _NS
_CH = 128
_LANES = 16


def _sc_gather_rows(A128, idx_flat):
    n = idx_flat.shape[0]
    rank = _LANES
    per_w = n // _NW
    n_chunks = per_w // _CH
    mesh = plsc.VectorSubcoreMesh(core_axis_name="c", subcore_axis_name="s")
    cp = pltpu.CompilerParams()
    if "needs_layout_passes" in pltpu.CompilerParams.__dataclass_fields__:
        cp = dataclasses.replace(cp, needs_layout_passes=False)

    @functools.partial(
        pl.kernel,
        mesh=mesh,
        compiler_params=cp,
        out_type=jax.ShapeDtypeStruct((n * rank,), jnp.float32),
        scratch_types=[
            pltpu.VMEM((per_w,), jnp.int32),
            pltpu.VMEM((per_w,), jnp.int32),
            pltpu.VMEM((2, _CH, 128), jnp.float32),
            pltpu.VMEM((2, _CH * rank), jnp.float32),
            pltpu.SemaphoreType.DMA((2,)),
            pltpu.SemaphoreType.DMA((2,)),
        ],
    )
    def k(table_hbm, idx_hbm, out_hbm, q_v, loff_v, rows_v, c_v, gsem, wsem):
        wid = lax.axis_index("s") * _NC + lax.axis_index("c")
        base = wid * per_w
        pltpu.sync_copy(idx_hbm.at[pl.ds(base, per_w)], q_v)

        @pl.loop(0, per_w, step=_LANES)
        def _(j):
            v = q_v[pl.ds(j, _LANES)]
            q_v[pl.ds(j, _LANES)] = v >> 3
            loff_v[pl.ds(j, _LANES)] = (v & 7) * rank

        iota16 = lax.iota(jnp.int32, _LANES)

        def gather(c, b):
            pltpu.async_copy(
                table_hbm.at[q_v.at[pl.ds(c * _CH, _CH)]],
                rows_v.at[b],
                gsem.at[b],
            )

        for b in range(2):
            gather(b, b)

        @pl.loop(0, n_chunks, step=2)
        def _(c):
            for b in range(2):
                cc = c + b
                off = cc * _CH
                pltpu.make_async_copy(
                    table_hbm.at[q_v.at[pl.ds(off, _CH)]],
                    rows_v.at[b],
                    gsem.at[b],
                ).wait()
                @pl.when(cc >= 2)
                def _():
                    pltpu.make_async_copy(
                        c_v.at[b],
                        out_hbm.at[pl.ds((base + off - 2 * _CH) * rank,
                                         _CH * rank)],
                        wsem.at[b],
                    ).wait()

                @pl.loop(0, _CH)
                def _(i):
                    lv = plsc.load_gather(
                        loff_v, [jnp.full((_LANES,), off + i, jnp.int32)]
                    )
                    rowv = plsc.load_gather(
                        rows_v.at[b],
                        [jnp.full((_LANES,), i, jnp.int32), lv + iota16],
                    )
                    c_v[b, pl.ds(i * rank, rank)] = rowv

                pltpu.async_copy(
                    c_v.at[b],
                    out_hbm.at[pl.ds((base + off) * rank, _CH * rank)],
                    wsem.at[b],
                )

                @pl.when(cc + 2 < n_chunks)
                def _():
                    gather(cc + 2, b)

        for b in range(2):
            off = (n_chunks - 2 + b) * _CH
            pltpu.make_async_copy(
                c_v.at[b],
                out_hbm.at[pl.ds((base + off) * rank, _CH * rank)],
                wsem.at[b],
            ).wait()

    return k(A128, idx_flat)


def _mm_body(g_ref, b8_ref, o_ref):
    mb = o_ref.shape[0]
    g2 = g_ref[...].reshape(mb, 128)
    o_ref[...] = lax.dot(
        g2, b8_ref[...],
        precision=lax.Precision.DEFAULT,
        preferred_element_type=jnp.float32,
    )


def _tc_matmul_packed(g_flat, B8):
    n8 = g_flat.shape[0] // 128
    mb = 1024
    return pl.pallas_call(
        _mm_body,
        grid=(n8 // mb,),
        in_specs=[
            pl.BlockSpec((mb * 128,), lambda i: (i,)),
            pl.BlockSpec((128, 512), lambda i: (0, 0)),
        ],
        out_specs=pl.BlockSpec((mb, 512), lambda i: (i, 0)),
        out_shape=jax.ShapeDtypeStruct((n8, 512), jnp.float32),
    )(g_flat, B8)


def kernel(idx, A, B):
    batch, fields = idx.shape
    rank = A.shape[1]
    dim = B.shape[1]
    n = batch * fields

    idx_flat = idx.reshape(-1).astype(jnp.int32)
    A128 = A.reshape(A.shape[0] * rank // 128, 128)
    g_flat = _sc_gather_rows(A128, idx_flat)

    eye8 = jnp.eye(8, dtype=B.dtype)
    B8 = jnp.einsum("ge,rd->gred", eye8, B).reshape(8 * rank, 8 * dim)

    out8 = _tc_matmul_packed(g_flat, B8)
    return out8.reshape(batch, fields, dim)

# --- scband reference (transcript-rebuilt; emitter-appended) ---
"""Pipeline reference for scband-low-rank-embedding-84516366451004 (READ-ONLY COPY).

The authoritative reference and input builder live on the scoring server;
editing this copy changes nothing except your own understanding.
"""

import jax, jax.numpy as jnp
import numpy as np

NUM_EMBEDDINGS = 1000000
EMBEDDING_DIM = 64
RANK = 16

def setup_inputs(seed: int = 0) -> dict:
    key = jax.random.key(seed)
    k_idx, k_a, k_b = jax.random.split(key, 3)
    idx = jax.random.randint(k_idx, (16384, 26), 0, NUM_EMBEDDINGS, dtype=jnp.int64 if jax.config.jax_enable_x64 else jnp.int32)
    A = jax.random.normal(k_a, (NUM_EMBEDDINGS, RANK), dtype=jnp.float32) * 0.02
    B = jax.random.normal(k_b, (RANK, EMBEDDING_DIM), dtype=jnp.float32) * 0.02
    return {"idx": idx, "A": A, "B": B}

def reference(idx, A, B):
    # F.embedding(idx, A) @ B
    gathered = jnp.take(A, idx, axis=0)  # [batch, fields, rank]
    out = gathered @ B  # [batch, fields, embedding_dim]
    return out

if __name__ == "__main__":
    import jax
    _d = setup_inputs()
    print(jax.jit(kernel)(*tuple(_d.values())))

</pallas_src>

<mosaic_0001>
#map = affine_map<(d0, d1) -> (0, 0)>
#map1 = affine_map<(d0, d1) -> (0)>
module attributes {stable_mosaic.version = 14 : i64} {
  func.func @k(%arg0: i32, %arg1: i32, %arg2: memref<125000x128xf32, #tpu.memory_space<hbm>>, %arg3: memref<425984xi32, #tpu.memory_space<hbm>>, %arg4: memref<6815744xf32, #tpu.memory_space<hbm>>, %arg5: memref<13312xi32, #tpu.memory_space<vmem>>, %arg6: memref<13312xi32, #tpu.memory_space<vmem>>, %arg7: memref<2x128x128xf32, #tpu.memory_space<vmem>>, %arg8: memref<2x2048xf32, #tpu.memory_space<vmem>>, %arg9: memref<2x!tpu.dma_semaphore, #tpu.memory_space<semaphore_mem>>, %arg10: memref<2x!tpu.dma_semaphore, #tpu.memory_space<semaphore_mem>>) attributes {dimension_semantics = [#tpu.dimension_semantics<core_parallel>, #tpu.dimension_semantics<subcore_parallel>], iteration_bounds = array<i64: 2, 16>, scalar_prefetch = 0 : i64, scratch_operands = 6 : i64, tpu.core_type = #tpu.core_type<sc_vector_subcore>, window_params = [{transform_indices = #map}, {transform_indices = #map1}, {transform_indices = #map1}]} {
    %mul3A = arith.constant 2 : i32
    %mul3A_0 = arith.muli %arg1, %mul3A : i32
    %add3A = arith.addi %mul3A_0, %arg0 : i32
    %mul3A_1 = arith.constant 13312 : i32
    %mul3A_2 = arith.muli %add3A, %mul3A_1 : i32
    "tpu.region"() ({
      %run_scoped3A = tpu.sem_alloc : memref<!tpu.dma_semaphore, #tpu.memory_space<semaphore_mem>>
      %dma_start3A_68 = tpu.memref_slice %arg3[%mul3A_2] : memref<425984xi32, #tpu.memory_space<hbm>> -> memref<13312xi32, #tpu.memory_space<hbm>>
      %dma_start3A_69 = tpu.memref_slice %arg3[%mul3A_2] : memref<425984xi32, #tpu.memory_space<hbm>> -> memref<13312xi32, #tpu.memory_space<hbm>>
      tpu.enqueue_dma source(%dma_start3A_69 : memref<13312xi32, #tpu.memory_space<hbm>>) target(%arg5 : memref<13312xi32, #tpu.memory_space<vmem>>) target_semaphore(%run_scoped3A : memref<!tpu.dma_semaphore, #tpu.memory_space<semaphore_mem>>)
      %dma_wait3A_70 = tpu.memref_slice %arg3[%mul3A_2] : memref<425984xi32, #tpu.memory_space<hbm>> -> memref<13312xi32, #tpu.memory_space<hbm>>
      %dma_wait3A_71 = tpu.memref_slice %arg3[%mul3A_2] : memref<425984xi32, #tpu.memory_space<hbm>> -> memref<13312xi32, #tpu.memory_space<hbm>>
      tpu.wait_dma2 semaphore(%run_scoped3A : memref<!tpu.dma_semaphore, #tpu.memory_space<semaphore_mem>>) src(%dma_wait3A_71 : memref<13312xi32, #tpu.memory_space<hbm>>) dst(%arg5 : memref<13312xi32, #tpu.memory_space<vmem>>)
      tpu.yield
    }) : () -> ()
    %scan3A = arith.constant 0 : i32
    %scan3A_3 = arith.constant 832 : i32
    %scan3A_4 = arith.addi %scan3A, %scan3A_3 : i32
    %scan3A_5 = arith.constant 1 : i32
    scf.for %scan3A_68 = %scan3A to %scan3A_4 step %scan3A_5  : i32 {
      %mul3A_69 = arith.constant 16 : i32
      %mul3A_70 = arith.muli %scan3A_68, %mul3A_69 : i32
      %add3A_71 = arith.constant 0 : i32
      %add3A_72 = arith.addi %add3A_71, %mul3A_70 : i32
      %get3A = arith.index_cast %add3A_72 : i32 to index
      %get3A_73 = tpu.vector_load %arg5[%get3A] {strides = array<i32>} : memref<13312xi32, #tpu.memory_space<vmem>>, vector<16xi32>,
      %shift_right_arithmetic3A = arith.constant 3 : i32
      %shift_right_arithmetic3A_74 = vector.broadcast %shift_right_arithmetic3A : i32 to vector<16xi32>
      %shift_right_arithmetic3A_75 = arith.shrsi %get3A_73, %shift_right_arithmetic3A_74 : vector<16xi32>
      %swap3A = arith.index_cast %add3A_72 : i32 to index
      %swap3A_76 = tpu.vector_load %arg5[%swap3A] {strides = array<i32>} : memref<13312xi32, #tpu.memory_space<vmem>>, vector<16xi32>,
      tpu.vector_store %arg5[%swap3A], %shift_right_arithmetic3A_75 {strides = array<i32>} : memref<13312xi32, #tpu.memory_space<vmem>>, vector<16xi32>,
      %and3A = arith.constant 7 : i32
      %and3A_77 = vector.broadcast %and3A : i32 to vector<16xi32>
      %and3A_78 = arith.andi %get3A_73, %and3A_77 : vector<16xi32>
      %mul3A_79 = arith.constant 16 : i32
      %mul3A_80 = vector.broadcast %mul3A_79 : i32 to vector<16xi32>
      %mul3A_81 = arith.muli %and3A_78, %mul3A_80 : vector<16xi32>
      %swap3A_82 = arith.index_cast %add3A_72 : i32 to index
      %swap3A_83 = tpu.vector_load %arg6[%swap3A_82] {strides = array<i32>} : memref<13312xi32, #tpu.memory_space<vmem>>, vector<16xi32>,
      tpu.vector_store %arg6[%swap3A_82], %mul3A_81 {strides = array<i32>} : memref<13312xi32, #tpu.memory_space<vmem>>, vector<16xi32>,
    }
    %scan3A_6 = arith.constant 832 : i32
    %iota3A = tpu.iota {dimensions = array<i32: 0>} : vector<16xi32>
    %dma_start3A = arith.constant 0 : i32
    %dma_start3A_7 = arith.constant 0 : i32
    %dma_start3A_8 = arith.constant 0 : i32
    %dma_start3A_9 = arith.constant 0 : i32
    %dma_start3A_10 = tpu.memref_slice %arg7[%dma_start3A, %dma_start3A_8, %dma_start3A_9] : memref<2x128x128xf32, #tpu.memory_space<vmem>> -> memref<1x128x128xf32, #tpu.memory_space<vmem>>
    %dma_start3A_11 = tpu.memref_squeeze %dma_start3A_10 : memref<1x128x128xf32, #tpu.memory_space<vmem>> -> memref<128x128xf32, #tpu.memory_space<vmem>>
    %dma_start3A_12 = arith.constant 0 : i32
    %dma_start3A_13 = tpu.memref_slice %arg5[%dma_start3A_12] : memref<13312xi32, #tpu.memory_space<vmem>> -> memref<128xi32, #tpu.memory_space<vmem>>
    %dma_start3A_14 = arith.constant 0 : i32
    %dma_start3A_15 = arith.constant 0 : i32
    %dma_start3A_16 = tpu.memref_slice %arg2[%dma_start3A_14, %dma_start3A_15] : memref<125000x128xf32, #tpu.memory_space<hbm>> -> memref<125000x128xf32, #tpu.memory_space<hbm>>
    %dma_start3A_17 = tpu.memref_slice %arg9[%dma_start3A_7] : memref<2x!tpu.dma_semaphore, #tpu.memory_space<semaphore_mem>> -> memref<1x!tpu.dma_semaphore, #tpu.memory_space<semaphore_mem>>
    %dma_start3A_18 = tpu.memref_squeeze %dma_start3A_17 : memref<1x!tpu.dma_semaphore, #tpu.memory_space<semaphore_mem>> -> memref<!tpu.dma_semaphore, #tpu.memory_space<semaphore_mem>>
    tpu.enqueue_indirect_dma source(%dma_start3A_16 : memref<125000x128xf32, #tpu.memory_space<hbm>>) target(%dma_start3A_11 : memref<128x128xf32, #tpu.memory_space<vmem>>) offsets(%dma_start3A_13 : memref<128xi32, #tpu.memory_space<vmem>>) semaphore(%dma_start3A_18 : memref<!tpu.dma_semaphore, #tpu.memory_space<semaphore_mem>>)
    %dma_start3A_19 = arith.constant 1 : i32
    %dma_start3A_20 = arith.constant 1 : i32
    %dma_start3A_21 = arith.constant 0 : i32
    %dma_start3A_22 = arith.constant 0 : i32
    %dma_start3A_23 = tpu.memref_slice %arg7[%dma_start3A_19, %dma_start3A_21, %dma_start3A_22] : memref<2x128x128xf32, #tpu.memory_space<vmem>> -> memref<1x128x128xf32, #tpu.memory_space<vmem>>
    %dma_start3A_24 = tpu.memref_squeeze %dma_start3A_23 : memref<1x128x128xf32, #tpu.memory_space<vmem>> -> memref<128x128xf32, #tpu.memory_space<vmem>>
    %dma_start3A_25 = arith.constant 128 : i32
    %dma_start3A_26 = tpu.memref_slice %arg5[%dma_start3A_25] : memref<13312xi32, #tpu.memory_space<vmem>> -> memref<128xi32, #tpu.memory_space<vmem>>
    %dma_start3A_27 = arith.constant 0 : i32
    %dma_start3A_28 = arith.constant 0 : i32
    %dma_start3A_29 = tpu.memref_slice %arg2[%dma_start3A_27, %dma_start3A_28] : memref<125000x128xf32, #tpu.memory_space<hbm>> -> memref<125000x128xf32, #tpu.memory_space<hbm>>
    %dma_start3A_30 = tpu.memref_slice %arg9[%dma_start3A_20] : memref<2x!tpu.dma_semaphore, #tpu.memory_space<semaphore_mem>> -> memref<1x!tpu.dma_semaphore, #tpu.memory_space<semaphore_mem>>
    %dma_start3A_31 = tpu.memref_squeeze %dma_start3A_30 : memref<1x!tpu.dma_semaphore, #tpu.memory_space<semaphore_mem>> -> memref<!tpu.dma_semaphore, #tpu.memory_space<semaphore_mem>>
    tpu.enqueue_indirect_dma source(%dma_start3A_29 : memref<125000x128xf32, #tpu.memory_space<hbm>>) target(%dma_start3A_24 : memref<128x128xf32, #tpu.memory_space<vmem>>) offsets(%dma_start3A_26 : memref<128xi32, #tpu.memory_space<vmem>>) semaphore(%dma_start3A_31 : memref<!tpu.dma_semaphore, #tpu.memory_space<semaphore_mem>>)
    %scan3A_32 = arith.constant 0 : i32
    %scan3A_33 = arith.constant 52 : i32
    %scan3A_34 = arith.addi %scan3A_32, %scan3A_33 : i32
    %scan3A_35 = arith.constant 1 : i32
    scf.for %scan3A_68 = %scan3A_32 to %scan3A_34 step %scan3A_35  : i32 {
      %mul3A_69 = arith.constant 2 : i32
      %mul3A_70 = arith.muli %scan3A_68, %mul3A_69 : i32
      %add3A_71 = arith.constant 0 : i32
      %add3A_72 = arith.addi %add3A_71, %mul3A_70 : i32
      %add3A_73 = arith.constant 0 : i32
      %add3A_74 = arith.addi %add3A_72, %add3A_73 : i32
      %mul3A_75 = arith.constant 128 : i32
      %mul3A_76 = arith.muli %add3A_74, %mul3A_75 : i32
      %dma_wait3A_77 = arith.constant 0 : i32
      %dma_wait3A_78 = arith.constant 0 : i32
      %dma_wait3A_79 = arith.constant 0 : i32
      %dma_wait3A_80 = arith.constant 0 : i32
      %dma_wait3A_81 = tpu.memref_slice %arg7[%dma_wait3A_77, %dma_wait3A_79, %dma_wait3A_80] : memref<2x128x128xf32, #tpu.memory_space<vmem>> -> memref<1x128x128xf32, #tpu.memory_space<vmem>>
      %dma_wait3A_82 = tpu.memref_squeeze %dma_wait3A_81 : memref<1x128x128xf32, #tpu.memory_space<vmem>> -> memref<128x128xf32, #tpu.memory_space<vmem>>
      %dma_wait3A_83 = tpu.memref_slice %arg5[%mul3A_76] : memref<13312xi32, #tpu.memory_space<vmem>> -> memref<128xi32, #tpu.memory_space<vmem>>
      %dma_wait3A_84 = arith.constant 0 : i32
      %dma_wait3A_85 = arith.constant 0 : i32
      %dma_wait3A_86 = tpu.memref_slice %arg2[%dma_wait3A_84, %dma_wait3A_85] : memref<125000x128xf32, #tpu.memory_space<hbm>> -> memref<125000x128xf32, #tpu.memory_space<hbm>>
      %dma_wait3A_87 = tpu.memref_slice %arg9[%dma_wait3A_78] : memref<2x!tpu.dma_semaphore, #tpu.memory_space<semaphore_mem>> -> memref<1x!tpu.dma_semaphore, #tpu.memory_space<semaphore_mem>>
      %dma_wait3A_88 = tpu.memref_squeeze %dma_wait3A_87 : memref<1x!tpu.dma_semaphore, #tpu.memory_space<semaphore_mem>> -> memref<!tpu.dma_semaphore, #tpu.memory_space<semaphore_mem>>
      tpu.wait_indirect_dma semaphore(%dma_wait3A_88 : memref<!tpu.dma_semaphore, #tpu.memory_space<semaphore_mem>>) src(%dma_wait3A_86 : memref<125000x128xf32, #tpu.memory_space<hbm>>) dst(%dma_wait3A_82 : memref<128x128xf32, #tpu.memory_space<vmem>>)
      %ge3A = arith.constant 2 : i32
      %ge3A_89 = arith.cmpi sge, %add3A_74, %ge3A : i32
      %convert_element_type3A = arith.extui %ge3A_89 : i1 to i32
      %cond3A = arith.constant 0 : i32
      %cond3A_90 = arith.cmpi ne, %convert_element_type3A, %cond3A : i32
      scf.if %cond3A_90 {
        %add3A_165 = arith.addi %mul3A_2, %mul3A_76 : i32
        %sub3A = arith.constant 256 : i32
        %sub3A_166 = arith.subi %add3A_165, %sub3A : i32
        %mul3A_167 = arith.constant 16 : i32
        %mul3A_168 = arith.muli %sub3A_166, %mul3A_167 : i32
        %dma_wait3A_169 = arith.constant 0 : i32
        %dma_wait3A_170 = arith.constant 0 : i32
        %dma_wait3A_171 = arith.constant 0 : i32
        %dma_wait3A_172 = tpu.memref_slice %arg8[%dma_wait3A_169, %dma_wait3A_171] : memref<2x2048xf32, #tpu.memory_space<vmem>> -> memref<1x2048xf32, #tpu.memory_space<vmem>>
        %dma_wait3A_173 = tpu.memref_squeeze %dma_wait3A_172 : memref<1x2048xf32, #tpu.memory_space<vmem>> -> memref<2048xf32, #tpu.memory_space<vmem>>
        %dma_wait3A_174 = tpu.memref_slice %arg4[%mul3A_168] : memref<6815744xf32, #tpu.memory_space<hbm>> -> memref<2048xf32, #tpu.memory_space<hbm>>
        %dma_wait3A_175 = tpu.memref_slice %arg10[%dma_wait3A_170] : memref<2x!tpu.dma_semaphore, #tpu.memory_space<semaphore_mem>> -> memref<1x!tpu.dma_semaphore, #tpu.memory_space<semaphore_mem>>
        %dma_wait3A_176 = tpu.memref_squeeze %dma_wait3A_175 : memref<1x!tpu.dma_semaphore, #tpu.memory_space<semaphore_mem>> -> memref<!tpu.dma_semaphore, #tpu.memory_space<semaphore_mem>>
        %dma_wait3A_177 = tpu.memref_slice %arg4[%mul3A_168] : memref<6815744xf32, #tpu.memory_space<hbm>> -> memref<2048xf32, #tpu.memory_space<hbm>>
        %dma_wait3A_178 = arith.constant 0 : i32
        %dma_wait3A_179 = tpu.memref_slice %arg8[%dma_wait3A_169, %dma_wait3A_178] : memref<2x2048xf32, #tpu.memory_space<vmem>> -> memref<1x2048xf32, #tpu.memory_space<vmem>>
        %dma_wait3A_180 = tpu.memref_squeeze %dma_wait3A_179 : memref<1x2048xf32, #tpu.memory_space<vmem>> -> memref<2048xf32, #tpu.memory_space<vmem>>
        tpu.wait_dma2 semaphore(%dma_wait3A_176 : memref<!tpu.dma_semaphore, #tpu.memory_space<semaphore_mem>>) src(%dma_wait3A_180 : memref<2048xf32, #tpu.memory_space<vmem>>) dst(%dma_wait3A_177 : memref<2048xf32, #tpu.memory_space<hbm>>)
      } else {
      }
      %scan3A_91 = arith.constant 0 : i32
      %scan3A_92 = arith.constant 128 : i32
      %scan3A_93 = arith.addi %scan3A_91, %scan3A_92 : i32
      %scan3A_94 = arith.constant 1 : i32
      scf.for %scan3A_165 = %scan3A_91 to %scan3A_93 step %scan3A_94  : i32 {
        %mul3A_166 = arith.constant 1 : i32
        %mul3A_167 = arith.muli %scan3A_165, %mul3A_166 : i32
        %add3A_168 = arith.constant 0 : i32
        %add3A_169 = arith.addi %add3A_168, %mul3A_167 : i32
        %add3A_170 = arith.addi %mul3A_76, %add3A_169 : i32
        %broadcast_in_dim3A = vector.broadcast %add3A_170 : i32 to vector<16xi32>
        %gather3A = tpu.vector_load_idx %arg6[%broadcast_in_dim3A] : memref<13312xi32, #tpu.memory_space<vmem>>[vector<16xi32>], vector<16xi32>,
        %broadcast_in_dim3A_171 = vector.broadcast %add3A_169 : i32 to vector<16xi32>
        %add3A_172 = arith.addi %gather3A, %iota3A : vector<16xi32>
        %gather3A_173 = arith.constant 0 : i32
        %gather3A_174 = arith.constant 0 : i32
        %gather3A_175 = arith.constant 0 : i32
        %gather3A_176 = tpu.memref_slice %arg7[%gather3A_173, %gather3A_174, %gather3A_175] : memref<2x128x128xf32, #tpu.memory_space<vmem>> -> memref<1x128x128xf32, #tpu.memory_space<vmem>>
        %gather3A_177 = tpu.memref_squeeze %gather3A_176 : memref<1x128x128xf32, #tpu.memory_space<vmem>> -> memref<128x128xf32, #tpu.memory_space<vmem>>
        %gather3A_178 = tpu.vector_load_idx %gather3A_177[%broadcast_in_dim3A_171, %add3A_172] : memref<128x128xf32, #tpu.memory_space<vmem>>[vector<16xi32>, vector<16xi32>], vector<16xf32>,
        %mul3A_179 = arith.constant 16 : i32
        %mul3A_180 = arith.muli %add3A_169, %mul3A_179 : i32
        %swap3A = arith.constant 0 : i32
        %swap3A_181 = arith.index_cast %swap3A : i32 to index
        %swap3A_182 = arith.index_cast %mul3A_180 : i32 to index
        %swap3A_183 = tpu.vector_load %arg8[%swap3A_181, %swap3A_182] {strides = array<i32>} : memref<2x2048xf32, #tpu.memory_space<vmem>>, vector<16xf32>,
        tpu.vector_store %arg8[%swap3A_181, %swap3A_182], %gather3A_178 {strides = array<i32>} : memref<2x2048xf32, #tpu.memory_space<vmem>>, vector<16xf32>,
      }
      %scan3A_95 = arith.constant 128 : i32
      %add3A_96 = arith.addi %mul3A_2, %mul3A_76 : i32
      %mul3A_97 = arith.constant 16 : i32
      %mul3A_98 = arith.muli %add3A_96, %mul3A_97 : i32
      %dma_start3A_99 = arith.constant 0 : i32
      %dma_start3A_100 = arith.constant 0 : i32
      %dma_start3A_101 = arith.constant 0 : i32
      %dma_start3A_102 = tpu.memref_slice %arg8[%dma_start3A_99, %dma_start3A_101] : memref<2x2048xf32, #tpu.memory_space<vmem>> -> memref<1x2048xf32, #tpu.memory_space<vmem>>
      %dma_start3A_103 = tpu.memref_squeeze %dma_start3A_102 : memref<1x2048xf32, #tpu.memory_space<vmem>> -> memref<2048xf32, #tpu.memory_space<vmem>>
      %dma_start3A_104 = tpu.memref_slice %arg4[%mul3A_98] : memref<6815744xf32, #tpu.memory_space<hbm>> -> memref<2048xf32, #tpu.memory_space<hbm>>
      %dma_start3A_105 = tpu.memref_slice %arg10[%dma_start3A_100] : memref<2x!tpu.dma_semaphore, #tpu.memory_space<semaphore_mem>> -> memref<1x!tpu.dma_semaphore, #tpu.memory_space<semaphore_mem>>
      %dma_start3A_106 = tpu.memref_squeeze %dma_start3A_105 : memref<1x!tpu.dma_semaphore, #tpu.memory_space<semaphore_mem>> -> memref<!tpu.dma_semaphore, #tpu.memory_space<semaphore_mem>>
      %dma_start3A_107 = tpu.memref_slice %arg4[%mul3A_98] : memref<6815744xf32, #tpu.memory_space<hbm>> -> memref<2048xf32, #tpu.memory_space<hbm>>
      %dma_start3A_108 = arith.constant 0 : i32
      %dma_start3A_109 = tpu.memref_slice %arg8[%dma_start3A_99, %dma_start3A_108] : memref<2x2048xf32, #tpu.memory_space<vmem>> -> memref<1x2048xf32, #tpu.memory_space<vmem>>
      %dma_start3A_110 = tpu.memref_squeeze %dma_start3A_109 : memref<1x2048xf32, #tpu.memory_space<vmem>> -> memref<2048xf32, #tpu.memory_space<vmem>>
      tpu.enqueue_dma source(%dma_start3A_110 : memref<2048xf32, #tpu.memory_space<vmem>>) target(%dma_start3A_107 : memref<2048xf32, #tpu.memory_space<hbm>>) target_semaphore(%dma_start3A_106 : memref<!tpu.dma_semaphore, #tpu.memory_space<semaphore_mem>>)
      %add3A_111 = arith.constant 2 : i32
      %add3A_112 = arith.addi %add3A_74, %add3A_111 : i32
      %lt3A = arith.constant 104 : i32
      %lt3A_113 = arith.cmpi slt, %add3A_112, %lt3A : i32
      %convert_element_type3A_114 = arith.extui %lt3A_113 : i1 to i32
      %cond3A_115 = arith.constant 0 : i32
      %cond3A_116 = arith.cmpi ne, %convert_element_type3A_114, %cond3A_115 : i32
      scf.if %cond3A_116 {
        %add3A_165 = arith.constant 2 : i32
        %add3A_166 = arith.addi %add3A_74, %add3A_165 : i32
        %mul3A_167 = arith.constant 128 : i32
        %mul3A_168 = arith.muli %add3A_166, %mul3A_167 : i32
        %dma_start3A_169 = arith.constant 0 : i32
        %dma_start3A_170 = arith.constant 0 : i32
        %dma_start3A_171 = arith.constant 0 : i32
        %dma_start3A_172 = arith.constant 0 : i32
        %dma_start3A_173 = tpu.memref_slice %arg7[%dma_start3A_169, %dma_start3A_171, %dma_start3A_172] : memref<2x128x128xf32, #tpu.memory_space<vmem>> -> memref<1x128x128xf32, #tpu.memory_space<vmem>>
        %dma_start3A_174 = tpu.memref_squeeze %dma_start3A_173 : memref<1x128x128xf32, #tpu.memory_space<vmem>> -> memref<128x128xf32, #tpu.memory_space<vmem>>
        %dma_start3A_175 = tpu.memref_slice %arg5[%mul3A_168] : memref<13312xi32, #tpu.memory_space<vmem>> -> memref<128xi32, #tpu.memory_space<vmem>>
        %dma_start3A_176 = arith.constant 0 : i32
        %dma_start3A_177 = arith.constant 0 : i32
        %dma_start3A_178 = tpu.memref_slice %arg2[%dma_start3A_176, %dma_start3A_177] : memref<125000x128xf32, #tpu.memory_space<hbm>> -> memref<125000x128xf32, #tpu.memory_space<hbm>>
        %dma_start3A_179 = tpu.memref_slice %arg9[%dma_start3A_170] : memref<2x!tpu.dma_semaphore, #tpu.memory_space<semaphore_mem>> -> memref<1x!tpu.dma_semaphore, #tpu.memory_space<semaphore_mem>>
        %dma_start3A_180 = tpu.memref_squeeze %dma_start3A_179 : memref<1x!tpu.dma_semaphore, #tpu.memory_space<semaphore_mem>> -> memref<!tpu.dma_semaphore, #tpu.memory_space<semaphore_mem>>
        tpu.enqueue_indirect_dma source(%dma_start3A_178 : memref<125000x128xf32, #tpu.memory_space<hbm>>) target(%dma_start3A_174 : memref<128x128xf32, #tpu.memory_space<vmem>>) offsets(%dma_start3A_175 : memref<128xi32, #tpu.memory_space<vmem>>) semaphore(%dma_start3A_180 : memref<!tpu.dma_semaphore, #tpu.memory_space<semaphore_mem>>)
      } else {
      }
      %add3A_117 = arith.constant 1 : i32
      %add3A_118 = arith.addi %add3A_72, %add3A_117 : i32
      %mul3A_119 = arith.constant 128 : i32
      %mul3A_120 = arith.muli %add3A_118, %mul3A_119 : i32
      %dma_wait3A_121 = arith.constant 1 : i32
      %dma_wait3A_122 = arith.constant 1 : i32
      %dma_wait3A_123 = arith.constant 0 : i32
      %dma_wait3A_124 = arith.constant 0 : i32
      %dma_wait3A_125 = tpu.memref_slice %arg7[%dma_wait3A_121, %dma_wait3A_123, %dma_wait3A_124] : memref<2x128x128xf32, #tpu.memory_space<vmem>> -> memref<1x128x128xf32, #tpu.memory_space<vmem>>
      %dma_wait3A_126 = tpu.memref_squeeze %dma_wait3A_125 : memref<1x128x128xf32, #tpu.memory_space<vmem>> -> memref<128x128xf32, #tpu.memory_space<vmem>>
      %dma_wait3A_127 = tpu.memref_slice %arg5[%mul3A_120] : memref<13312xi32, #tpu.memory_space<vmem>> -> memref<128xi32, #tpu.memory_space<vmem>>
      %dma_wait3A_128 = arith.constant 0 : i32
      %dma_wait3A_129 = arith.constant 0 : i32
      %dma_wait3A_130 = tpu.memref_slice %arg2[%dma_wait3A_128, %dma_wait3A_129] : memref<125000x128xf32, #tpu.memory_space<hbm>> -> memref<125000x128xf32, #tpu.memory_space<hbm>>
      %dma_wait3A_131 = tpu.memref_slice %arg9[%dma_wait3A_122] : memref<2x!tpu.dma_semaphore, #tpu.memory_space<semaphore_mem>> -> memref<1x!tpu.dma_semaphore, #tpu.memory_space<semaphore_mem>>
      %dma_wait3A_132 = tpu.memref_squeeze %dma_wait3A_131 : memref<1x!tpu.dma_semaphore, #tpu.memory_space<semaphore_mem>> -> memref<!tpu.dma_semaphore, #tpu.memory_space<semaphore_mem>>
      tpu.wait_indirect_dma semaphore(%dma_wait3A_132 : memref<!tpu.dma_semaphore, #tpu.memory_space<semaphore_mem>>) src(%dma_wait3A_130 : memref<125000x128xf32, #tpu.memory_space<hbm>>) dst(%dma_wait3A_126 : memref<128x128xf32, #tpu.memory_space<vmem>>)
      %ge3A_133 = arith.constant 2 : i32
      %ge3A_134 = arith.cmpi sge, %add3A_118, %ge3A_133 : i32
      %convert_element_type3A_135 = arith.extui %ge3A_134 : i1 to i32
      %cond3A_136 = arith.constant 0 : i32
      %cond3A_137 = arith.cmpi ne, %convert_element_type3A_135, %cond3A_136 : i32
      scf.if %cond3A_137 {
        %add3A_165 = arith.addi %mul3A_2, %mul3A_120 : i32
        %sub3A = arith.constant 256 : i32
        %sub3A_166 = arith.subi %add3A_165, %sub3A : i32
        %mul3A_167 = arith.constant 16 : i32
        %mul3A_168 = arith.muli %sub3A_166, %mul3A_167 : i32
        %dma_wait3A_169 = arith.constant 1 : i32
        %dma_wait3A_170 = arith.constant 1 : i32
        %dma_wait3A_171 = arith.constant 0 : i32
        %dma_wait3A_172 = tpu.memref_slice %arg8[%dma_wait3A_169, %dma_wait3A_171] : memref<2x2048xf32, #tpu.memory_space<vmem>> -> memref<1x2048xf32, #tpu.memory_space<vmem>>
        %dma_wait3A_173 = tpu.memref_squeeze %dma_wait3A_172 : memref<1x2048xf32, #tpu.memory_space<vmem>> -> memref<2048xf32, #tpu.memory_space<vmem>>
        %dma_wait3A_174 = tpu.memref_slice %arg4[%mul3A_168] : memref<6815744xf32, #tpu.memory_space<hbm>> -> memref<2048xf32, #tpu.memory_space<hbm>>
        %dma_wait3A_175 = tpu.memref_slice %arg10[%dma_wait3A_170] : memref<2x!tpu.dma_semaphore, #tpu.memory_space<semaphore_mem>> -> memref<1x!tpu.dma_semaphore, #tpu.memory_space<semaphore_mem>>
        %dma_wait3A_176 = tpu.memref_squeeze %dma_wait3A_175 : memref<1x!tpu.dma_semaphore, #tpu.memory_space<semaphore_mem>> -> memref<!tpu.dma_semaphore, #tpu.memory_space<semaphore_mem>>
        %dma_wait3A_177 = tpu.memref_slice %arg4[%mul3A_168] : memref<6815744xf32, #tpu.memory_space<hbm>> -> memref<2048xf32, #tpu.memory_space<hbm>>
        %dma_wait3A_178 = arith.constant 0 : i32
        %dma_wait3A_179 = tpu.memref_slice %arg8[%dma_wait3A_169, %dma_wait3A_178] : memref<2x2048xf32, #tpu.memory_space<vmem>> -> memref<1x2048xf32, #tpu.memory_space<vmem>>
        %dma_wait3A_180 = tpu.memref_squeeze %dma_wait3A_179 : memref<1x2048xf32, #tpu.memory_space<vmem>> -> memref<2048xf32, #tpu.memory_space<vmem>>
        tpu.wait_dma2 semaphore(%dma_wait3A_176 : memref<!tpu.dma_semaphore, #tpu.memory_space<semaphore_mem>>) src(%dma_wait3A_180 : memref<2048xf32, #tpu.memory_space<vmem>>) dst(%dma_wait3A_177 : memref<2048xf32, #tpu.memory_space<hbm>>)
      } else {
      }
      %scan3A_138 = arith.constant 0 : i32
      %scan3A_139 = arith.constant 128 : i32
      %scan3A_140 = arith.addi %scan3A_138, %scan3A_139 : i32
      %scan3A_141 = arith.constant 1 : i32
      scf.for %scan3A_165 = %scan3A_138 to %scan3A_140 step %scan3A_141  : i32 {
        %mul3A_166 = arith.constant 1 : i32
        %mul3A_167 = arith.muli %scan3A_165, %mul3A_166 : i32
        %add3A_168 = arith.constant 0 : i32
        %add3A_169 = arith.addi %add3A_168, %mul3A_167 : i32
        %add3A_170 = arith.addi %mul3A_120, %add3A_169 : i32
        %broadcast_in_dim3A = vector.broadcast %add3A_170 : i32 to vector<16xi32>
        %gather3A = tpu.vector_load_idx %arg6[%broadcast_in_dim3A] : memref<13312xi32, #tpu.memory_space<vmem>>[vector<16xi32>], vector<16xi32>,
        %broadcast_in_dim3A_171 = vector.broadcast %add3A_169 : i32 to vector<16xi32>
        %add3A_172 = arith.addi %gather3A, %iota3A : vector<16xi32>
        %gather3A_173 = arith.constant 1 : i32
        %gather3A_174 = arith.constant 0 : i32
        %gather3A_175 = arith.constant 0 : i32
        %gather3A_176 = tpu.memref_slice %arg7[%gather3A_173, %gather3A_174, %gather3A_175] : memref<2x128x128xf32, #tpu.memory_space<vmem>> -> memref<1x128x128xf32, #tpu.memory_space<vmem>>
        %gather3A_177 = tpu.memref_squeeze %gather3A_176 : memref<1x128x128xf32, #tpu.memory_space<vmem>> -> memref<128x128xf32, #tpu.memory_space<vmem>>
        %gather3A_178 = tpu.vector_load_idx %gather3A_177[%broadcast_in_dim3A_171, %add3A_172] : memref<128x128xf32, #tpu.memory_space<vmem>>[vector<16xi32>, vector<16xi32>], vector<16xf32>,
        %mul3A_179 = arith.constant 16 : i32
        %mul3A_180 = arith.muli %add3A_169, %mul3A_179 : i32
        %swap3A = arith.constant 1 : i32
        %swap3A_181 = arith.index_cast %swap3A : i32 to index
        %swap3A_182 = arith.index_cast %mul3A_180 : i32 to index
        %swap3A_183 = tpu.vector_load %arg8[%swap3A_181, %swap3A_182] {strides = array<i32>} : memref<2x2048xf32, #tpu.memory_space<vmem>>, vector<16xf32>,
        tpu.vector_store %arg8[%swap3A_181, %swap3A_182], %gather3A_178 {strides = array<i32>} : memref<2x2048xf32, #tpu.memory_space<vmem>>, vector<16xf32>,
      }
      %scan3A_142 = arith.constant 128 : i32
      %add3A_143 = arith.addi %mul3A_2, %mul3A_120 : i32
      %mul3A_144 = arith.constant 16 : i32
      %mul3A_145 = arith.muli %add3A_143, %mul3A_144 : i32
      %dma_start3A_146 = arith.constant 1 : i32
      %dma_start3A_147 = arith.constant 1 : i32
      %dma_start3A_148 = arith.constant 0 : i32
      %dma_start3A_149 = tpu.memref_slice %arg8[%dma_start3A_146, %dma_start3A_148] : memref<2x2048xf32, #tpu.memory_space<vmem>> -> memref<1x2048xf32, #tpu.memory_space<vmem>>
      %dma_start3A_150 = tpu.memref_squeeze %dma_start3A_149 : memref<1x2048xf32, #tpu.memory_space<vmem>> -> memref<2048xf32, #tpu.memory_space<vmem>>
      %dma_start3A_151 = tpu.memref_slice %arg4[%mul3A_145] : memref<6815744xf32, #tpu.memory_space<hbm>> -> memref<2048xf32, #tpu.memory_space<hbm>>
      %dma_start3A_152 = tpu.memref_slice %arg10[%dma_start3A_147] : memref<2x!tpu.dma_semaphore, #tpu.memory_space<semaphore_mem>> -> memref<1x!tpu.dma_semaphore, #tpu.memory_space<semaphore_mem>>
      %dma_start3A_153 = tpu.memref_squeeze %dma_start3A_152 : memref<1x!tpu.dma_semaphore, #tpu.memory_space<semaphore_mem>> -> memref<!tpu.dma_semaphore, #tpu.memory_space<semaphore_mem>>
      %dma_start3A_154 = tpu.memref_slice %arg4[%mul3A_145] : memref<6815744xf32, #tpu.memory_space<hbm>> -> memref<2048xf32, #tpu.memory_space<hbm>>
      %dma_start3A_155 = arith.constant 0 : i32
      %dma_start3A_156 = tpu.memref_slice %arg8[%dma_start3A_146, %dma_start3A_155] : memref<2x2048xf32, #tpu.memory_space<vmem>> -> memref<1x2048xf32, #tpu.memory_space<vmem>>
      %dma_start3A_157 = tpu.memref_squeeze %dma_start3A_156 : memref<1x2048xf32, #tpu.memory_space<vmem>> -> memref<2048xf32, #tpu.memory_space<vmem>>
      tpu.enqueue_dma source(%dma_start3A_157 : memref<2048xf32, #tpu.memory_space<vmem>>) target(%dma_start3A_154 : memref<2048xf32, #tpu.memory_space<hbm>>) target_semaphore(%dma_start3A_153 : memref<!tpu.dma_semaphore, #tpu.memory_space<semaphore_mem>>)
      %add3A_158 = arith.constant 2 : i32
      %add3A_159 = arith.addi %add3A_118, %add3A_158 : i32
      %lt3A_160 = arith.constant 104 : i32
      %lt3A_161 = arith.cmpi slt, %add3A_159, %lt3A_160 : i32
      %convert_element_type3A_162 = arith.extui %lt3A_161 : i1 to i32
      %cond3A_163 = arith.constant 0 : i32
      %cond3A_164 = arith.cmpi ne, %convert_element_type3A_162, %cond3A_163 : i32
      scf.if %cond3A_164 {
        %add3A_165 = arith.constant 2 : i32
        %add3A_166 = arith.addi %add3A_118, %add3A_165 : i32
        %mul3A_167 = arith.constant 128 : i32
        %mul3A_168 = arith.muli %add3A_166, %mul3A_167 : i32
        %dma_start3A_169 = arith.constant 1 : i32
        %dma_start3A_170 = arith.constant 1 : i32
        %dma_start3A_171 = arith.constant 0 : i32
        %dma_start3A_172 = arith.constant 0 : i32
        %dma_start3A_173 = tpu.memref_slice %arg7[%dma_start3A_169, %dma_start3A_171, %dma_start3A_172] : memref<2x128x128xf32, #tpu.memory_space<vmem>> -> memref<1x128x128xf32, #tpu.memory_space<vmem>>
        %dma_start3A_174 = tpu.memref_squeeze %dma_start3A_173 : memref<1x128x128xf32, #tpu.memory_space<vmem>> -> memref<128x128xf32, #tpu.memory_space<vmem>>
        %dma_start3A_175 = tpu.memref_slice %arg5[%mul3A_168] : memref<13312xi32, #tpu.memory_space<vmem>> -> memref<128xi32, #tpu.memory_space<vmem>>
        %dma_start3A_176 = arith.constant 0 : i32
        %dma_start3A_177 = arith.constant 0 : i32
        %dma_start3A_178 = tpu.memref_slice %arg2[%dma_start3A_176, %dma_start3A_177] : memref<125000x128xf32, #tpu.memory_space<hbm>> -> memref<125000x128xf32, #tpu.memory_space<hbm>>
        %dma_start3A_179 = tpu.memref_slice %arg9[%dma_start3A_170] : memref<2x!tpu.dma_semaphore, #tpu.memory_space<semaphore_mem>> -> memref<1x!tpu.dma_semaphore, #tpu.memory_space<semaphore_mem>>
        %dma_start3A_180 = tpu.memref_squeeze %dma_start3A_179 : memref<1x!tpu.dma_semaphore, #tpu.memory_space<semaphore_mem>> -> memref<!tpu.dma_semaphore, #tpu.memory_space<semaphore_mem>>
        tpu.enqueue_indirect_dma source(%dma_start3A_178 : memref<125000x128xf32, #tpu.memory_space<hbm>>) target(%dma_start3A_174 : memref<128x128xf32, #tpu.memory_space<vmem>>) offsets(%dma_start3A_175 : memref<128xi32, #tpu.memory_space<vmem>>) semaphore(%dma_start3A_180 : memref<!tpu.dma_semaphore, #tpu.memory_space<semaphore_mem>>)
      } else {
      }
    }
    %scan3A_36 = arith.constant 52 : i32
    %add3A_37 = arith.constant 13056 : i32
    %add3A_38 = arith.addi %mul3A_2, %add3A_37 : i32
    %mul3A_39 = arith.constant 16 : i32
    %mul3A_40 = arith.muli %add3A_38, %mul3A_39 : i32
    %dma_wait3A = arith.constant 0 : i32
    %dma_wait3A_41 = arith.constant 0 : i32
    %dma_wait3A_42 = arith.constant 0 : i32
    %dma_wait3A_43 = tpu.memref_slice %arg8[%dma_wait3A, %dma_wait3A_42] : memref<2x2048xf32, #tpu.memory_space<vmem>> -> memref<1x2048xf32, #tpu.memory_space<vmem>>
    %dma_wait3A_44 = tpu.memref_squeeze %dma_wait3A_43 : memref<1x2048xf32, #tpu.memory_space<vmem>> -> memref<2048xf32, #tpu.memory_space<vmem>>
    %dma_wait3A_45 = tpu.memref_slice %arg4[%mul3A_40] : memref<6815744xf32, #tpu.memory_space<hbm>> -> memref<2048xf32, #tpu.memory_space<hbm>>
    %dma_wait3A_46 = tpu.memref_slice %arg10[%dma_wait3A_41] : memref<2x!tpu.dma_semaphore, #tpu.memory_space<semaphore_mem>> -> memref<1x!tpu.dma_semaphore, #tpu.memory_space<semaphore_mem>>
    %dma_wait3A_47 = tpu.memref_squeeze %dma_wait3A_46 : memref<1x!tpu.dma_semaphore, #tpu.memory_space<semaphore_mem>> -> memref<!tpu.dma_semaphore, #tpu.memory_space<semaphore_mem>>
    %dma_wait3A_48 = tpu.memref_slice %arg4[%mul3A_40] : memref<6815744xf32, #tpu.memory_space<hbm>> -> memref<2048xf32, #tpu.memory_space<hbm>>
    %dma_wait3A_49 = arith.constant 0 : i32
    %dma_wait3A_50 = tpu.memref_slice %arg8[%dma_wait3A, %dma_wait3A_49] : memref<2x2048xf32, #tpu.memory_space<vmem>> -> memref<1x2048xf32, #tpu.memory_space<vmem>>
    %dma_wait3A_51 = tpu.memref_squeeze %dma_wait3A_50 : memref<1x2048xf32, #tpu.memory_space<vmem>> -> memref<2048xf32, #tpu.memory_space<vmem>>
    tpu.wait_dma2 semaphore(%dma_wait3A_47 : memref<!tpu.dma_semaphore, #tpu.memory_space<semaphore_mem>>) src(%dma_wait3A_51 : memref<2048xf32, #tpu.memory_space<vmem>>) dst(%dma_wait3A_48 : memref<2048xf32, #tpu.memory_space<hbm>>)
    %add3A_52 = arith.constant 13184 : i32
    %add3A_53 = arith.addi %mul3A_2, %add3A_52 : i32
    %mul3A_54 = arith.constant 16 : i32
    %mul3A_55 = arith.muli %add3A_53, %mul3A_54 : i32
    %dma_wait3A_56 = arith.constant 1 : i32
    %dma_wait3A_57 = arith.constant 1 : i32
    %dma_wait3A_58 = arith.constant 0 : i32
    %dma_wait3A_59 = tpu.memref_slice %arg8[%dma_wait3A_56, %dma_wait3A_58] : memref<2x2048xf32, #tpu.memory_space<vmem>> -> memref<1x2048xf32, #tpu.memory_space<vmem>>
    %dma_wait3A_60 = tpu.memref_squeeze %dma_wait3A_59 : memref<1x2048xf32, #tpu.memory_space<vmem>> -> memref<2048xf32, #tpu.memory_space<vmem>>
    %dma_wait3A_61 = tpu.memref_slice %arg4[%mul3A_55] : memref<6815744xf32, #tpu.memory_space<hbm>> -> memref<2048xf32, #tpu.memory_space<hbm>>
    %dma_wait3A_62 = tpu.memref_slice %arg10[%dma_wait3A_57] : memref<2x!tpu.dma_semaphore, #tpu.memory_space<semaphore_mem>> -> memref<1x!tpu.dma_semaphore, #tpu.memory_space<semaphore_mem>>
    %dma_wait3A_63 = tpu.memref_squeeze %dma_wait3A_62 : memref<1x!tpu.dma_semaphore, #tpu.memory_space<semaphore_mem>> -> memref<!tpu.dma_semaphore, #tpu.memory_space<semaphore_mem>>
    %dma_wait3A_64 = tpu.memref_slice %arg4[%mul3A_55] : memref<6815744xf32, #tpu.memory_space<hbm>> -> memref<2048xf32, #tpu.memory_space<hbm>>
    %dma_wait3A_65 = arith.constant 0 : i32
    %dma_wait3A_66 = tpu.memref_slice %arg8[%dma_wait3A_56, %dma_wait3A_65] : memref<2x2048xf32, #tpu.memory_space<vmem>> -> memref<1x2048xf32, #tpu.memory_space<vmem>>
    %dma_wait3A_67 = tpu.memref_squeeze %dma_wait3A_66 : memref<1x2048xf32, #tpu.memory_space<vmem>> -> memref<2048xf32, #tpu.memory_space<vmem>>
    tpu.wait_dma2 semaphore(%dma_wait3A_63 : memref<!tpu.dma_semaphore, #tpu.memory_space<semaphore_mem>>) src(%dma_wait3A_67 : memref<2048xf32, #tpu.memory_space<vmem>>) dst(%dma_wait3A_64 : memref<2048xf32, #tpu.memory_space<hbm>>)
    return
  }
}

module attributes {stable_mosaic.version = 14 : i64} {
  func.func @_mm_body(%arg0: i32, %arg1: memref<131072xf32, #tpu.memory_space<vmem>>, %arg2: memref<128x512xf32, #tpu.memory_space<vmem>>, %arg3: memref<1024x512xf32, #tpu.memory_space<vmem>>) attributes {dimension_semantics = [#tpu.dimension_semantics<arbitrary>], iteration_bounds = array<i64: 52>, scalar_prefetch = 0 : i64, scratch_operands = 0 : i64, tpu.core_type = #tpu.core_type<tc>, window_params = [{transform_indices = @transform_0, window_bounds = array<i64: 131072>}, {pipeline_mode = #tpu.pipeline_mode<synchronous>, transform_indices = @transform_1, window_bounds = array<i64: 128, 512>}, {transform_indices = @transform_2, window_bounds = array<i64: 1024, 512>}]} {
    %get3A = arith.constant 0 : index
    %get3A_0 = vector.load %arg1[%get3A] : memref<131072xf32, #tpu.memory_space<vmem>>, vector<131072xf32>
    %reshape3A = vector.shape_cast %get3A_0 : vector<131072xf32> to vector<1024x128xf32>
    %get3A_1 = arith.constant 0 : index
    %get3A_2 = arith.constant 0 : index
    %get3A_3 = vector.load %arg2[%get3A_1, %get3A_2] : memref<128x512xf32, #tpu.memory_space<vmem>>, vector<128x512xf32>
    %dot_general3A = arith.constant dense<0.000000e+00> : vector<1024x512xf32>
    %dot_general3A_4 = tpu.matmul %reshape3A, %get3A_3, %dot_general3A {dimension_numbers = #tpu.dot_dimension_numbers<[1], [0], [0], [1], [0, 0, 1, 1], [], []>, transpose_lhs_hint = false} : vector<1024x128xf32>, vector<128x512xf32>, vector<1024x512xf32> -> vector<1024x512xf32>
    %swap3A = arith.constant 0 : index
    %swap3A_5 = arith.constant 0 : index
    %swap3A_6 = vector.load %arg3[%swap3A, %swap3A_5] : memref<1024x512xf32, #tpu.memory_space<vmem>>, vector<1024x512xf32>
    tpu.vector_store %arg3[%swap3A, %swap3A_5], %dot_general3A_4 {strides = array<i32>} : memref<1024x512xf32, #tpu.memory_space<vmem>>, vector<1024x512xf32>,
    return
  }
  func.func @transform_0(%arg0: i32) -> i32 {
    %c0_i32 = arith.constant 0 : i32
    return %arg0 : i32
  }
  func.func @transform_1(%arg0: i32) -> (i32, i32) {
    %c0_i32 = arith.constant 0 : i32
    %c0_i32_0 = arith.constant 0 : i32
    %c0_i32_1 = arith.constant 0 : i32
    return %c0_i32, %c0_i32_0 : i32, i32
  }
  func.func @transform_2(%arg0: i32) -> (i32, i32) {
    %c0_i32 = arith.constant 0 : i32
    %c0_i32_0 = arith.constant 0 : i32
    return %arg0, %c0_i32 : i32, i32
  }
}

</mosaic_0001>

<sc_bundles>
// kernel: kernel.4.cloned.1.call-start
scs
__scs_entry_jumppad:
0x0: {  	(pc) =	sbr.rel $0x88, $3  }
0x1: {  	(tag) =	ssettag $0x0;
	lr =	simm.s32 $0x1  }
0x2: {  	[smem:$0x3F9E] =	sst lr;
	_ =	strace $0xD0000000  }
0x3: {  	_ = 	snop  }
0x4: {  	_ = 	snop  }
0x5: {  	_ = 	snop  }
0x6: {  	_ = 	snop  }
0x7: {  	_ = 	snop  }
__scs_overlays_trampoline_lowered:
0x8: {  	[smem:$0x3FAD] =	sst s0  }
0x9: {  	[smem:$0x3FAE] =	sst s1  }
0xa: {  	[smem:$0x3FAF] =	sst s2  }
0xb: {  	[smem:$0x3FB0] =	sst s3  }
0xc: {  	[smem:$0x3FB1] =	sst s4  }
0xd: {  	[smem:$0x3FB2] =	sst s5  }
0xe: {  	[smem:$0x3FB3] =	sst s6  }
0xf: {  	[smem:$0x3FB4] =	sst s7  }
0x10: {  	[smem:$0x3FB5] =	sst s8  }
0x11: {  	[smem:$0x3FB6] =	sst s9;
	s0 =	simm.s32 @!p0 $0x0  }
0x12: {  	s1 =	sld [smem:$0x3F9C];
	s0 =	simm.s32 @p0 $0x1  }
0x13: {  	[smem:$0x3FB7] =	sst s0;
	s0 =	simm.s32 @!p1 $0x0  }
0x14: {  	s2 =	sld [smem:$0x3F9B];
	s0 =	simm.s32 @p1 $0x1  }
0x15: {  	[smem:$0x3FB8] =	sst s0;
	s0 =	simm.s32 @!p2 $0x0  }
0x16: {  	s3 =	sld [smem:$0x3FDB];
	s0 =	simm.s32 @p2 $0x1  }
0x17: {  	s4 =	simm.s32 $0x1BF5;
	[smem:$0x3FBA] =	sst s0  }
0x18: {  	s0 =	sld [smem:$0x3F9D];
	_ =	swait.ge [sflag:s4], $0x0  }
0x19: {  	s7 =	sld [smem:$0x3F9E]  }
0x1a: {  	s8 =	sadd.s32 $0xFFFFE003, lr  }
0x1b: {  	s9 =	sadd.s32 $0xFFFFFEF7, lr;
	s5 =	simm.s32 $0xFFFFFFFF;
	p2 =	slt.u32 s8, $0xFFFFF086  }
0x1c: {  	p1 =	slt.u32 s9, $0xF7A;
	s5 =	simm.s32 @!p2 $0x0  }
0x1d: {  	s5 =	simm.s32 @p1 $0x1;
	p0 =	seq.s32 s7, s2  }
0x1e: {  	s7 =	smul.u32 @!p0 $0xF7A, s2;
	p2 =	seq.s32 @!p0 s5, $0x0  }
0x1f: {  	s9 =	smul.u32 $0xF7A, s1;
	s8 =	simm.s32 @!p0 $0x1BF5;
	p2 =	por !p2, p0  }
0x20: {  	[sflag:s8] =	ssyncset.s32 @!p0 $0xFFFFF086;
	s6 =	sadd.s32 @!p0 s3, s7;
	s7 =	simm.s32 @!p0 $0x108  }
0x21: {  	s3 =	sadd.s32 s3, s9;
	s6 =	sadd.s32 @!p0 $0x88, s6;
	s7 =	simm.s32 @p2 $0x1082  }
0x22: {  	[simem:s7], [sflag:s8] =	dma.local @!p0 [hbm:s6], $0xF7A  }
0x23: {  	s9 =	sor.u32 $0xD0000000, s2;
	s6 =	simm.s32 $0x108;
	_ =	swait.ge @!p0 [sflag:s8], $0x0  }
0x24: {  	s3 =	sadd.s32 $0x88, s3;
	s6 =	simm.s32 @!p1 $0x1082;
	[sflag:s4] =	ssyncset.s32 $0xFFFFF086  }
0x25: {  	[simem:s6], [sflag:s4] =	dma.local [hbm:s3], $0xF7A  }
0x26: {  	[smem:$0x3F9E] =	sst s1;
	(tag) =	ssettag s2;
	_ =	strace s9  }
0x27: {  	s1 =	sld [smem:$0x3FAE]  }
0x28: {  	s2 =	sld [smem:$0x3FAF]  }
0x29: {  	s4 =	sld [smem:$0x3FB1]  }
0x2a: {  	p0 =	seq.s32 s5, $0x0;
	s5 =	sld [smem:$0x3FB2]  }
0x2b: {  	s6 =	sld [smem:$0x3FB3]  }
0x2c: {  	s7 =	sld [smem:$0x3FB4]  }
0x2d: {  	s3 =	simm.s32 $0x108;
	s8 =	sld [smem:$0x3FB5]  }
0x2e: {  	s3 =	simm.s32 @!p0 $0x1082;
	s9 =	sld [smem:$0x3FB6]  }
0x2f: {  	lr =	sadd.s32 s0, s3;
	s0 =	sld [smem:$0x3FAD]  }
0x30: {  	s3 =	sld [smem:$0x3FB0]  }
0x31: {  	[smem:$0x3FB9] =	sst s10  }
0x32: {  	s10 =	sld [smem:$0x3FB7];
	_ =	sdelay $0x3  }
0x33: {  	p0 =	seq.s32 s10, $0x1;
	s10 =	sld [smem:$0x3FB9];
	_ =	sdelay $0x3  }
0x34: {  	[smem:$0x3FB9] =	sst s10  }
0x35: {  	s10 =	sld [smem:$0x3FB8];
	_ =	sdelay $0x3  }
0x36: {  	p1 =	seq.s32 s10, $0x1;
	s10 =	sld [smem:$0x3FB9];
	_ =	sdelay $0x3  }
0x37: {  	[smem:$0x3FB9] =	sst s10  }
0x38: {  	s10 =	sld [smem:$0x3FBA]  }
0x39: {  	_ = 	snop;
	(pc) =	sbr.ind lr, $3  }
0x3a: {  	_ = 	snop  }
0x3b: {  	_ = 	snop  }
0x3c: {  	p2 =	seq.s32 s10, $0x1;
	s10 =	sld [smem:$0x3FB9]  }
0x3d: {  	_ =	shalt  }
0x3e: {  	_ =	shalt  }
0x3f: {  	_ =	shalt  }
0x40: {  	_ =	shalt  }
0x41: {  	_ =	shalt  }
0x42: {  	_ =	shalt  }
0x43: {  	_ =	shalt  }
0x44: {  	_ =	shalt  }
0x45: {  	_ =	shalt  }
0x46: {  	_ =	shalt  }
0x47: {  	_ =	shalt  }
0x48: {  	_ =	shalt  }
0x49: {  	_ =	shalt  }
0x4a: {  	_ =	shalt  }
0x4b: {  	_ =	shalt  }
0x4c: {  	_ =	shalt  }
0x4d: {  	_ =	shalt  }
0x4e: {  	_ =	shalt  }
0x4f: {  	_ =	shalt  }
0x50: {  	_ =	shalt  }
0x51: {  	_ =	shalt  }
0x52: {  	_ =	shalt  }
0x53: {  	_ =	shalt  }
0x54: {  	_ =	shalt  }
0x55: {  	_ =	shalt  }
0x56: {  	_ =	shalt  }
0x57: {  	_ =	shalt  }
0x58: {  	_ =	shalt  }
0x59: {  	_ =	shalt  }
0x5a: {  	_ =	shalt  }
0x5b: {  	_ =	shalt  }
0x5c: {  	_ =	shalt  }
0x5d: {  	_ =	shalt  }
0x5e: {  	_ =	shalt  }
0x5f: {  	_ =	shalt  }
0x60: {  	_ =	shalt  }
0x61: {  	_ =	shalt  }
0x62: {  	_ =	shalt  }
0x63: {  	_ =	shalt  }
0x64: {  	_ =	shalt  }
0x65: {  	_ =	shalt  }
0x66: {  	_ =	shalt  }
0x67: {  	_ =	shalt  }
0x68: {  	_ =	shalt  }
0x69: {  	_ =	shalt  }
0x6a: {  	_ =	shalt  }
0x6b: {  	_ =	shalt  }
0x6c: {  	_ =	shalt  }
0x6d: {  	_ =	shalt  }
0x6e: {  	_ =	shalt  }
0x6f: {  	_ =	shalt  }
0x70: {  	_ =	shalt  }
0x71: {  	_ =	shalt  }
0x72: {  	_ =	shalt  }
0x73: {  	_ =	shalt  }
0x74: {  	_ =	shalt  }
0x75: {  	_ =	shalt  }
0x76: {  	_ =	shalt  }
0x77: {  	_ =	shalt  }
0x78: {  	_ =	shalt  }
0x79: {  	_ =	shalt  }
0x7a: {  	_ =	shalt  }
0x7b: {  	_ =	shalt  }
0x7c: {  	_ =	shalt  }
0x7d: {  	_ =	shalt  }
0x7e: {  	_ =	shalt  }
0x7f: {  	_ =	shalt  }
0x80: {  	_ =	shalt  }
0x81: {  	_ =	shalt  }
0x82: {  	_ =	shalt  }
0x83: {  	_ =	shalt  }
0x84: {  	_ =	shalt  }
0x85: {  	_ =	shalt  }
0x86: {  	_ =	shalt  }
0x87: {  	_ =	shalt  }
.Lfunc_end0:
.L_simem_size_0:
called_computation.1_lowered:
.L_overlay_start_0:
0x88: {  	s2 =	sld [smem:$0x3FD9]  }
0x89: {  	s3 =	sld [smem:$0x3FFE];
	_ =	sdelay $0x1  }
0x8a: {  	s1 =	srdreg.scid  }
0x8b: {  	s0 =	sand.u32 $0x1, s1  }
0x8c: {  	s17 =	sshll.u32 s0, $0xA;
	s2 =	sadd.s32 s3, s2  }
0x8d: {  	s2 =	sadd.s32 s2, s17  }
0x8e: {  	[smem:$0x3FC5] =	sst s2  }
0x8f: {  	_ = 	snop  }
0x90: {  	s2 =	sld [smem:$0x3FD0];
	(tm) =	ssettm $0x1  }
0x91: {  	s18 =	sld [smem:$0x3FFB];
	_ =	sdelay $0x3  }
0x92: {  	_ =	strace s18  }
0x93: {  	s3 =	sld [smem:$0x3FFC];
	_ =	sdelay $0x3  }
0x94: {  	_ =	strace s3  }
0x95: {  	s3 =	sld [smem:$0x3FFD];
	_ =	sdelay $0x3  }
0x96: {  	_ =	strace s3  }
0x97: {  	_ =	strace $0x8FFFFFFF  }
0x98: {  	s19 =	sld [smem:$0x3FDB];
	_ =	sdelay $0x1  }
0x99: {  	s4 =	simm.s32 $_scs_section_size  }
0x9a: {  	s5 =	simm.s32 $_size__tile_overlayer_lowered;
	s6 =	simm.s32 $_tile_overlayer_lowered  }
0x9b: {  	s22 =	simm.s32 $0x1BFF;
	s21 =	sshll.u32 s6, $0x1;
	s3 =	sadd.s32 s4, s19  }
0x9c: {  	s7 =	simm.s32 $0x0;
	s20 =	sshll.u32 s5, $0x1;
	s5 =	sadd.s32 s21, s3  }
0x9d: {  	[timem:s7], [sflag:s22] =	dma.local [hbm:s5], s20  }
0x9e: {  	_ =	swait.ge [sflag:s22], s20  }
0x9f: {  	s4 =	ssub.s32 $0x0, s20;
	[sflag:s22] =	ssyncset.done $0x0  }
0xa0: {  	[sflag:s22] =	ssyncadd.s32 s4;
	_ =	sdelay $0x1  }
0xa1: {  	s23 =	simm.s32 $0x1B8B  }
0xa2: {  	_ =	swait.ge [sflag:s23], $0x1  }
0xa3: {  	[sflag:s23] =	ssyncset.done $0x0  }
0xa4: {  	s25 =	simm.s32 $0x1B8E;
	s24 =	sld [smem:$0x3FFE];
	[sflag:s23] =	ssyncadd.s32 $0xFFFFFFFF  }
0xa5: {  	s26 =	simm.s32 $execute0_lowered;
	[smem:$0x3FD2] =	sst s25  }
0xa6: {  	s5 =	sshll.u32 s26, $0x1;
	_ =	strace $0x80000046;
	[dreg:$0x1] =	wrdreg $0xFFFFFFFF  }
0xa7: {  	s28 =	simm.s32 $_size_execute0_lowered;
	s3 =	sadd.s32 s3, s5;
	[dreg:$0x0] =	wrdreg $0x0  }
0xa8: {  	s5 =	sshll.u32 s28, $0x1;
	[dreg:$0x2] =	wrdreg s3  }
0xa9: {  	[dreg:$0x3] =	wrdreg s5  }
0xaa: {  	[dreg:$0x4] =	wrdreg $0xC0  }
0xab: {  	_ =	task [dreg:s7], $0x5FFFF  }
0xac: {  	[dreg:$0x1] =	wrdreg $0xFFFFFFFF  }
0xad: {  	[dreg:$0x0] =	wrdreg $0x60  }
0xae: {  	[dreg:$0x2] =	wrdreg s2  }
0xaf: {  	[dreg:$0x3] =	wrdreg s24  }
0xb0: {  	[dreg:$0x4] =	wrdreg $0x9  }
0xb1: {  	_ =	task.clear_ibuf [dreg:s7], $0x5FFFF;
	_ =	strace $0x90000046  }
0xb2: {  	s29 =	simm.s32 $0x9;
	_ =	strace $0x80000048  }
0xb3: {  	_ =	swait.ge [sflag:s29], $0x1  }
0xb4: {  	[sflag:s29] =	ssyncadd.s32 $0xFFFFFFFF  }
0xb5: {  	_ =	strace $0x90000048  }
0xb6: {  	_ =	sfence  }
0xb7: {  	s30 =	sld [smem:$0x0];
	_ =	sdelay $0x2  }
0xb8: {  	s31 =	sshll.u32 s1, $0xD;
	s1 =	sshrl.u32 s1, $0x2  }
0xb9: {  	s3 =	sand.u32 $0x4000, s31;
	s1 =	sadd.s32 s1, s30  }
0xba: {  	s0 =	sor.u32 s3, s0;
	s1 =	sshll.u32 s1, $0x11  }
0xbb: {  	s0 =	sor.u32 s1, s0  }
0xbc: {  	s0 =	sadd.s32 $0x8F2B, s0  }
0xbd: {  	[sflag:s0] =	ssyncadd.remote.s32 $0x1  }
0xbe: {  	_ =	sfence.sel $0xFFFF  }
0xbf: {  	[dreg:$0x0] =	wrdreg $0xFFFFFFFF;
	(pc) =	sbr.abs _section_cstart, $3  }
0xc0: {  	[dreg:$0x1] =	wrdreg $0xFFFFFFFF  }
0xc1: {  	_ =	task.clear_ibuf [dreg:s7], $0x2FFFF;
	_ =	strace $0x9FFFFFFF  }
0xc2: {  	(tm) =	ssettm $0x7FFFFFFF  }
0xc3: {  	_ =	shalt  }
tec
execute0_lowered:
.L_overlay_start_1:
0x0: {  	(tag) =	ssettag $0x1  }
0x1: {  	s0 =	srdreg.scid  }
0x2: {  	s1 =	stileid.u32;
	s2 =	rddreg [dreg:$0x0]  }
0x3: {  	s5 =	rddreg [dreg:$0x1];
	s4 =	simm.s32 $0x0;
	s9 =	simm.s32 $0x6800  }
0x4: {  	s10 =	simm.s32 $0xA800;
	s11 =	simm.s32 $0x1;
	s12 =	simm.s32 $0x3400  }
0x5: {  	s30 =	simm.s32 $0x2;
	s14 =	simm.s32 $0xEF80;
	s15 =	simm.s32 $0xF080  }
0x6: {  	s16 =	simm.s32 $0xF180;
	s17 =	simm.s32 $0xF280;
	s18 =	simm.s32 $0xF380  }
0x7: {  	s19 =	simm.s32 $0xF480;
	s0 =	sand.u32 $0x1, s0;
	s1 =	sshll.u32 s1, $0x1  }
0x8: {  	s20 =	simm.s32 $0xF580;
	s21 =	simm.s32 $0xF680;
	s1 =	sor.u32 s0, s1  }
0x9: {  	s22 =	simm.s32 $0xF780;
	s0 =	ssub.s32 $0x2, s0;
	s3 =	smul.u32 $0x3400, s1  }
.Ltmp0:
0xa: {  	s23 =	simm.s32 $0x80;
	s6 =	sshrl.u32 s0, $0x1;
	(pc) =	sbr.rel .LBB2_1-.Ltmp0, $4  }
0xb: {  	s25 =	simm.s32 $0x0;
	s0 =	ssub.s32 s0, s6;
	s1 =	sshrl.u32 s3, $0x3  }
0xc: {  	[smem:$0x7FF] =	sst s4;
	s0 =	smax.u32 s0, $0x1;
	s1 =	sadd.s32 s1, s5  }
0xd: {  	_ =	strace $0x80000047;
	[dreg:$0x4] =	wrdreg s0;
	s1 =	sadd.s32 $0xC00, s1  }
0xe: {  	v0 =	vlaneseq.u32;
	s6 =	simm.s32 $0x0;
	s5 =	sadd.s32 $0xDC00, s5;
	[dreg:$0x3] =	wrdreg s1  }
.LBB2_10:
0xf: {  	s0 =	simm.s32 $0x3  }
0x10: {  	_ =	swait.ge [sflag:s0], $0x800  }
0x11: {  	[sflag:s0] =	ssyncset.done $0x0  }
0x12: {  	s1 =	simm.s32 $0x4;
	[sflag:s0] =	ssyncadd.s32 $0xFFFFF800  }
0x13: {  	_ =	swait.ge [sflag:s1], $0x800  }
0x14: {  	s6 =	rddreg [dreg:$0x5]  }
0x15: {  	s31 =	rddreg [dreg:$0x4];
	s6 =	sadd.s32 $0x1, s6  }
0x16: {  	p0 =	sne.s32 s6, s31  }
.Ltmp1:
0x17: {  	_ = 	snop;
	(pc) =	sbr.rel @!p0 .LBB2_11-.Ltmp1, $3  }
0x18: {  	_ =	sdelay $0x1  }
0x19: {  	[sflag:s1] =	ssyncset.done $0x0  }
0x1a: {  	[sflag:s1] =	ssyncadd.s32 $0xFFFFF800  }
.LBB2_1:
0x1b: {  	[dreg:$0x5] =	wrdreg s6  }
0x1c: {  	s0 =	rddreg [dreg:$0x3];
	s31 =	simm.s32 $0x5  }
0x1d: {  	[tilespmem:s4], [sflag:$0x5] =	stream.linear.gather [hbm4b:s0+s4], $0x3400, $0x38;
	[tilespmem:$0xF800] =	vst v63  }
0x1e: {  	_ =	swait.ge [sflag:s31], $0x3400  }
0x1f: {  	[sflag:s31] =	ssyncset.done $0x0  }
0x20: {  	s0 =	simm.s32 $0x0;
	[sflag:s31] =	ssyncadd.s32 $0xFFFFCC00  }
0x21: {  	v1 =	vld [tilespmem:s0+$0x0];
	_ =	sdelay $0x4  }
0x22: {  	s6 =	simm.s32 $0x40;
	s1 =	simm.s32 $0x80;
	v2 =	vshra.s32 v1, $0x3;
	v1 =	vshll.u32 v1, $0x4  }
.LBB2_2:
0x23: {  	p0 =	sne.s32 s1, $0xCFC0;
	s7 =	sshra.s32 s6, $0x2;
	[tilespmem:s0+$0x0] =	vst v2;
	v1 =	vand.u32 $0x70, v1;
	s6 =	smov.u32 s1  }
0x24: {  	v3 =	vld [tilespmem:s7+$0x0];
	[tilespmem:s0+$0x3400] =	vst v1;
	s0 =	smov.u32 s7  }
.Ltmp2:
0x25: {  	(pc) =	sbr.rel @p0 .LBB2_2-.Ltmp2, $2  }
0x26: {  	_ =	sdelay $0x2  }
0x27: {  	s1 =	sadd.s32 $0x40, s1;
	v2 =	vshra.s32 v3, $0x3;
	v1 =	vshll.u32 v3, $0x4  }
0x28: {  	s1 =	sshra.s32 s6, $0x2;
	[tilespmem:s0+$0x0] =	vst v2  }
0x29: {  	v2 =	vld [tilespmem:s1+$0x0];
	_ =	sdelay $0x3  }
0x2a: {  	v1 =	vand.u32 $0x70, v1  }
0x2b: {  	[tilespmem:s0+$0x3400] =	vst v1;
	v1 =	vshra.s32 v2, $0x3;
	v2 =	vshll.u32 v2, $0x4  }
0x2c: {  	[tilespmem:s1+$0x0] =	vst v1;
	v1 =	vand.u32 $0x70, v2  }
0x2d: {  	s24 =	simm.s32 $0x80;
	[tilespmem:s1+$0x3400] =	vst v1  }
0x2e: {  	[tilespmem:s9], [sflag:$0x1] =	stream.indirect.gather [hbm4b:s2+s24], $0x80, s25, s24, $0xb8;
	[tilespmem:$0xF800] =	vst v63  }
0x2f: {  	s26 =	simm.s32 $0x0;
	s28 =	simm.s32 $0x0  }
0x30: {  	[tilespmem:s10], [sflag:$0x2] =	stream.indirect.gather [hbm4b:s2+s24], $0x80, s24, s24, $0xb8;
	[tilespmem:$0xF800] =	vst v63  }
.LBB2_4:
0x31: {  	_ =	swait.ge [sflag:s11], $0x4000;
	s0 =	sadd.s32 $0x0, s26  }
0x32: {  	p0 =	seq.s32 s28, $0x0;
	[sflag:s11] =	ssyncset.done $0x0;
	v1 =	vmov s0  }
0x33: {  	s0 =	simm.s32 @!p0 $0x3;
	[sflag:s11] =	ssyncadd.s32 $0xFFFFC000  }
0x34: {  	_ =	swait.ge @!p0 [sflag:s0], $0x800  }
0x35: {  	[sflag:s0] =	ssyncset.done @!p0 $0x0  }
0x36: {  	[sflag:s0] =	ssyncadd.s32 @!p0 $0xFFFFF800  }
0x37: {  	v1 =	vld.idx.msk [tilespmem:v1+s12+$0x0], $0xffff;
	_ =	sdelay $0x4  }
0x38: {  	v1 =	vadd.s32 v0, v1  }
0x39: {  	s6 =	simm.s32 $0x0;
	v2 =	vand.u32 $0xFFFFFF80, v1  }
0x3a: {  	v1 =	vand.u32 $0x7F, v1;
	v2 =	vadd.s32 s6, v2  }
0x3b: {  	v1 =	vor.u32 v1, v2;
	_ =	sdelay $0x4  }
0x3c: {  	s7 =	sadd.s32 $0x1, s26;
	v1 =	vld.idx.msk [tilespmem:v1+s9+$0x0], $0xffff  }
0x3d: {  	v2 =	vmov s7;
	_ =	sdelay $0x1  }
0x3e: {  	s8 =	sand.u32 $0x70, s25;
	s1 =	sand.u32 $0xF00, s25  }
0x3f: {  	s0 =	sor.u32 s8, s1  }
0x40: {  	[tilespmem:s0+$0xE800] =	vst v1  }
0x41: {  	v1 =	vld.idx.msk [tilespmem:v2+s12+$0x0], $0xffff;
	_ =	sdelay $0x4  }
0x42: {  	v1 =	vadd.s32 v0, v1  }
0x43: {  	s13 =	simm.s32 $0x80;
	v2 =	vand.u32 $0xFFFFFF80, v1  }
0x44: {  	v1 =	vand.u32 $0x7F, v1;
	v2 =	vadd.s32 s13, v2  }
0x45: {  	v1 =	vor.u32 v1, v2;
	_ =	sdelay $0x2  }
0x46: {  	s29 =	sshll.u32 s28, $0xA  }
0x47: {  	s31 =	sshll.u32 s28, $0x8;
	s1 =	simm.s32 $0x2;
	s8 =	sadd.s32 $0x2, s26  }
0x48: {  	s6 =	simm.s32 $0x0;
	s7 =	simm.s32 $0x3;
	s0 =	simm.s32 $0x0;
	v1 =	vld.idx.msk [tilespmem:v1+s9+$0x0], $0xffff  }
.LBB2_5:
0x49: {  	p1 =	sne.s32 s7, $0x7F;
	v2 =	vmov s8  }
0x4a: {  	s0 =	sadd.s32 $0x20, s0;
	s6 =	sadd.s32 $0x10, s6  }
0x4b: {  	s8 =	sand.u32 $0x70, s6;
	s13 =	sand.u32 $0xF00, s0  }
0x4c: {  	s8 =	sor.u32 s8, s13  }
0x4d: {  	[tilespmem:s8+$0xE800] =	vst v1  }
0x4e: {  	v1 =	vld.idx.msk [tilespmem:v2+s12+$0x0], $0xffff;
	_ =	sdelay $0x5  }
0x4f: {  	v1 =	vadd.s32 v0, v1  }
0x50: {  	s8 =	sshll.u32 s1, $0x7;
	s1 =	smov.u32 s7;
	v2 =	vand.u32 $0xFFFFFF80, v1  }
0x51: {  	v1 =	vand.u32 $0x7F, v1;
	v2 =	vadd.s32 s8, v2  }
0x52: {  	v1 =	vor.u32 v1, v2;
	_ =	sdelay $0x1  }
.Ltmp3:
0x53: {  	(pc) =	sbr.rel @p1 .LBB2_5-.Ltmp3, $3  }
0x54: {  	_ =	sdelay $0x1  }
0x55: {  	v1 =	vld.idx.msk [tilespmem:v1+s9+$0x0], $0xffff  }
0x56: {  	s7 =	sadd.s32 $0x1, s7;
	s8 =	sadd.s32 s1, s26  }
0x57: {  	v2 =	vmov s8  }
0x58: {  	s0 =	sadd.s32 $0x20, s0;
	s6 =	sadd.s32 $0x10, s6  }
0x59: {  	s7 =	sand.u32 $0x70, s6;
	s13 =	sand.u32 $0xF00, s0  }
0x5a: {  	s7 =	sor.u32 s7, s13  }
0x5b: {  	[tilespmem:s7+$0xE800] =	vst v1  }
0x5c: {  	v1 =	vld.idx.msk [tilespmem:v2+s12+$0x0], $0xffff;
	_ =	sdelay $0x4  }
0x5d: {  	v1 =	vadd.s32 v0, v1  }
0x5e: {  	s1 =	sshll.u32 s1, $0x7;
	v2 =	vand.u32 $0xFFFFFF80, v1  }
0x5f: {  	v1 =	vand.u32 $0x7F, v1;
	v2 =	vadd.s32 s1, v2  }
0x60: {  	v1 =	vor.u32 v1, v2;
	_ =	sdelay $0x4  }
0x61: {  	v1 =	vld.idx.msk [tilespmem:v1+s9+$0x0], $0xffff;
	_ =	sdelay $0x1  }
0x62: {  	s0 =	sadd.s32 $0x20, s0;
	s8 =	sadd.s32 $0x10, s6  }
0x63: {  	s0 =	sand.u32 $0xF00, s0;
	s13 =	sadd.s32 s3, s31;
	s1 =	sand.u32 $0x70, s8  }
0x64: {  	s6 =	sshll.u32 s13, $0x1;
	s0 =	sor.u32 s1, s0  }
0x65: {  	s7 =	simm.s32 $0xE800;
	[tilespmem:s0+$0xE800] =	vst v1;
	s0 =	sadd.s32 s5, s6  }
0x66: {  	[hbm4b:s0+s4] =	stream.linear.scatter [tilespmem:s7], [sflag:$0x3], $0x80, $0x38;
	[tilespmem:$0xF800] =	vst v63  }
0x67: {  	s13 =	simm.s32 $0xE900;
	s8 =	sadd.s32 $0x10, s0  }
0x68: {  	[hbm4b:s8+s4] =	stream.linear.scatter [tilespmem:s13], [sflag:$0x3], $0x80, $0x38;
	[tilespmem:$0xF800] =	vst v63  }
0x69: {  	s6 =	sadd.s32 $0x20, s0;
	s7 =	simm.s32 $0xEA00  }
0x6a: {  	[hbm4b:s6+s4] =	stream.linear.scatter [tilespmem:s7], [sflag:$0x3], $0x80, $0x38;
	[tilespmem:$0xF800] =	vst v63  }
0x6b: {  	s8 =	sadd.s32 $0x30, s0;
	s13 =	simm.s32 $0xEB00  }
0x6c: {  	[hbm4b:s8+s4] =	stream.linear.scatter [tilespmem:s13], [sflag:$0x3], $0x80, $0x38;
	[tilespmem:$0xF800] =	vst v63  }
0x6d: {  	s6 =	sadd.s32 $0x40, s0;
	s7 =	simm.s32 $0xEC00  }
0x6e: {  	[hbm4b:s6+s4] =	stream.linear.scatter [tilespmem:s7], [sflag:$0x3], $0x80, $0x38;
	[tilespmem:$0xF800] =	vst v63  }
0x6f: {  	s8 =	sadd.s32 $0x50, s0;
	s13 =	simm.s32 $0xED00  }
0x70: {  	[hbm4b:s8+s4] =	stream.linear.scatter [tilespmem:s13], [sflag:$0x3], $0x80, $0x38;
	[tilespmem:$0xF800] =	vst v63  }
0x71: {  	s6 =	sadd.s32 $0x60, s0;
	s7 =	simm.s32 $0xEE00  }
0x72: {  	[hbm4b:s6+s4] =	stream.linear.scatter [tilespmem:s7], [sflag:$0x3], $0x80, $0x38;
	[tilespmem:$0xF800] =	vst v63  }
0x73: {  	s8 =	sadd.s32 $0x70, s0;
	s13 =	simm.s32 $0xEF00  }
0x74: {  	[hbm4b:s8+s4] =	stream.linear.scatter [tilespmem:s13], [sflag:$0x3], $0x80, $0x38;
	[tilespmem:$0xF800] =	vst v63  }
0x75: {  	s6 =	sadd.s32 $0x80, s0;
	s7 =	simm.s32 $0xF000  }
0x76: {  	[hbm4b:s6+s4] =	stream.linear.scatter [tilespmem:s7], [sflag:$0x3], $0x80, $0x38;
	[tilespmem:$0xF800] =	vst v63  }
0x77: {  	s8 =	sadd.s32 $0x90, s0;
	s13 =	simm.s32 $0xF100  }
0x78: {  	[hbm4b:s8+s4] =	stream.linear.scatter [tilespmem:s13], [sflag:$0x3], $0x80, $0x38;
	[tilespmem:$0xF800] =	vst v63  }
0x79: {  	s6 =	sadd.s32 $0xA0, s0;
	s7 =	simm.s32 $0xF200  }
0x7a: {  	[hbm4b:s6+s4] =	stream.linear.scatter [tilespmem:s7], [sflag:$0x3], $0x80, $0x38;
	[tilespmem:$0xF800] =	vst v63  }
0x7b: {  	s8 =	sadd.s32 $0xB0, s0;
	s13 =	simm.s32 $0xF300  }
0x7c: {  	[hbm4b:s8+s4] =	stream.linear.scatter [tilespmem:s13], [sflag:$0x3], $0x80, $0x38;
	[tilespmem:$0xF800] =	vst v63  }
0x7d: {  	s6 =	sadd.s32 $0xC0, s0;
	s7 =	simm.s32 $0xF400  }
0x7e: {  	[hbm4b:s6+s4] =	stream.linear.scatter [tilespmem:s7], [sflag:$0x3], $0x80, $0x38;
	[tilespmem:$0xF800] =	vst v63  }
0x7f: {  	s8 =	sadd.s32 $0xD0, s0;
	s13 =	simm.s32 $0xF500  }
0x80: {  	[hbm4b:s8+s4] =	stream.linear.scatter [tilespmem:s13], [sflag:$0x3], $0x80, $0x38;
	[tilespmem:$0xF800] =	vst v63  }
0x81: {  	s6 =	sadd.s32 $0xE0, s0;
	s7 =	simm.s32 $0xF600  }
0x82: {  	[hbm4b:s6+s4] =	stream.linear.scatter [tilespmem:s7], [sflag:$0x3], $0x80, $0x38;
	[tilespmem:$0xF800] =	vst v63  }
0x83: {  	p1 =	seq.s32 s28, $0x33;
	s0 =	sadd.s32 $0xF0, s0;
	s8 =	simm.s32 $0xF700  }
0x84: {  	[hbm4b:s0+s4] =	stream.linear.scatter [tilespmem:s8], [sflag:$0x3], $0x80, $0x38;
	[tilespmem:$0xF800] =	vst v63  }
0x85: {  	s0 =	sshrl.u32 @!p1 s29, $0x2  }
0x86: {  	s1 =	simm.s32 @!p1 $0x80;
	s6 =	simm.s32 @!p1 $0x6800;
	s0 =	sadd.s32 @!p1 $0x100, s0  }
0x87: {  	[tilespmem:s6], [sflag:$0x1] =	stream.indirect.gather @!p1 [hbm4b:s2+s1], $0x80, s0, s1, $0xb8;
	[tilespmem:$0xF800] =	vst v63  }
0x88: {  	s13 =	sadd.s32 $0x0, s24;
	_ =	swait.ge [sflag:s30], $0x4000  }
0x89: {  	v1 =	vmov s13;
	[sflag:s30] =	ssyncset.done $0x0  }
0x8a: {  	s0 =	simm.s32 @!p0 $0x4;
	[sflag:s30] =	ssyncadd.s32 $0xFFFFC000  }
0x8b: {  	_ =	swait.ge @!p0 [sflag:s0], $0x800  }
0x8c: {  	[sflag:s0] =	ssyncset.done @!p0 $0x0  }
0x8d: {  	[sflag:s0] =	ssyncadd.s32 @!p0 $0xFFFFF800  }
0x8e: {  	v1 =	vld.idx.msk [tilespmem:v1+s12+$0x0], $0xffff;
	_ =	sdelay $0x4  }
0x8f: {  	v1 =	vadd.s32 v0, v1  }
0x90: {  	s1 =	simm.s32 $0x0;
	v2 =	vand.u32 $0xFFFFFF80, v1  }
0x91: {  	v1 =	vand.u32 $0x7F, v1;
	v2 =	vadd.s32 s1, v2  }
0x92: {  	v1 =	vor.u32 v1, v2;
	_ =	sdelay $0x4  }
0x93: {  	s6 =	sadd.s32 $0x1, s24;
	v1 =	vld.idx.msk [tilespmem:v1+s10+$0x0], $0xffff  }
0x94: {  	v2 =	vmov s6  }
0x95: {  	s1 =	simm.s32 $0x0  }
0x96: {  	s7 =	sand.u32 $0x70, s1;
	s8 =	sand.u32 $0xF00, s1  }
0x97: {  	s0 =	sor.u32 s7, s8  }
0x98: {  	[tilespmem:s0+$0xE880] =	vst v1  }
0x99: {  	v1 =	vld.idx.msk [tilespmem:v2+s12+$0x0], $0xffff;
	_ =	sdelay $0x4  }
0x9a: {  	v1 =	vadd.s32 v0, v1  }
0x9b: {  	s13 =	simm.s32 $0x80;
	v2 =	vand.u32 $0xFFFFFF80, v1  }
0x9c: {  	v1 =	vand.u32 $0x7F, v1;
	v2 =	vadd.s32 s13, v2  }
0x9d: {  	v1 =	vor.u32 v1, v2;
	_ =	sdelay $0x3  }
0x9e: {  	s31 =	sor.u32 $0x80, s31;
	s6 =	simm.s32 $0x0  }
0x9f: {  	s8 =	sadd.s32 $0x2, s24;
	s7 =	simm.s32 $0x3;
	s0 =	simm.s32 $0x2;
	v1 =	vld.idx.msk [tilespmem:v1+s10+$0x0], $0xffff  }
.LBB2_7:
0xa0: {  	p0 =	sne.s32 s7, $0x7F;
	v2 =	vmov s8  }
0xa1: {  	s1 =	sadd.s32 $0x20, s1;
	s6 =	sadd.s32 $0x10, s6  }
0xa2: {  	s8 =	sand.u32 $0x70, s6;
	s13 =	sand.u32 $0xF00, s1  }
0xa3: {  	s8 =	sor.u32 s8, s13  }
0xa4: {  	[tilespmem:s8+$0xE880] =	vst v1  }
0xa5: {  	v1 =	vld.idx.msk [tilespmem:v2+s12+$0x0], $0xffff;
	_ =	sdelay $0x5  }
0xa6: {  	v1 =	vadd.s32 v0, v1  }
0xa7: {  	s8 =	sshll.u32 s0, $0x7;
	s0 =	smov.u32 s7;
	v2 =	vand.u32 $0xFFFFFF80, v1  }
0xa8: {  	v1 =	vand.u32 $0x7F, v1;
	v2 =	vadd.s32 s8, v2  }
0xa9: {  	v1 =	vor.u32 v1, v2;
	_ =	sdelay $0x1  }
.Ltmp4:
0xaa: {  	(pc) =	sbr.rel @p0 .LBB2_7-.Ltmp4, $3  }
0xab: {  	_ =	sdelay $0x1  }
0xac: {  	v1 =	vld.idx.msk [tilespmem:v1+s10+$0x0], $0xffff  }
0xad: {  	s7 =	sadd.s32 $0x1, s7;
	s8 =	sadd.s32 s0, s24  }
0xae: {  	v2 =	vmov s8  }
0xaf: {  	s1 =	sadd.s32 $0x20, s1;
	s6 =	sadd.s32 $0x10, s6  }
0xb0: {  	s7 =	sand.u32 $0x70, s6;
	s13 =	sand.u32 $0xF00, s1  }
0xb1: {  	s7 =	sor.u32 s7, s13  }
0xb2: {  	[tilespmem:s7+$0xE880] =	vst v1  }
0xb3: {  	v1 =	vld.idx.msk [tilespmem:v2+s12+$0x0], $0xffff;
	_ =	sdelay $0x4  }
0xb4: {  	v1 =	vadd.s32 v0, v1  }
0xb5: {  	s0 =	sshll.u32 s0, $0x7;
	v2 =	vand.u32 $0xFFFFFF80, v1  }
0xb6: {  	v1 =	vand.u32 $0x7F, v1;
	v2 =	vadd.s32 s0, v2  }
0xb7: {  	v1 =	vor.u32 v1, v2;
	_ =	sdelay $0x4  }
0xb8: {  	v1 =	vld.idx.msk [tilespmem:v1+s10+$0x0], $0xffff;
	_ =	sdelay $0x1  }
0xb9: {  	s31 =	sadd.s32 s3, s31;
	s8 =	sadd.s32 $0x20, s1;
	s13 =	sadd.s32 $0x10, s6  }
0xba: {  	s6 =	sshll.u32 s31, $0x1;
	s1 =	sand.u32 $0x70, s13;
	s0 =	sand.u32 $0xF00, s8  }
0xbb: {  	s7 =	sand.u32 $0x1FFFFF00, s6;
	s0 =	sor.u32 s1, s0  }
0xbc: {  	s8 =	simm.s32 $0xE880;
	[tilespmem:s0+$0xE880] =	vst v1;
	s0 =	sadd.s32 s5, s7  }
0xbd: {  	[hbm4b:s0+s4] =	stream.linear.scatter [tilespmem:s8], [sflag:$0x4], $0x80, $0x38;
	[tilespmem:$0xF800] =	vst v63  }
0xbe: {  	s31 =	simm.s32 $0xE980;
	s13 =	sadd.s32 $0x10, s0  }
0xbf: {  	[hbm4b:s13+s4] =	stream.linear.scatter [tilespmem:s31], [sflag:$0x4], $0x80, $0x38;
	[tilespmem:$0xF800] =	vst v63  }
0xc0: {  	s7 =	sadd.s32 $0x20, s0;
	s8 =	simm.s32 $0xEA80  }
0xc1: {  	[hbm4b:s7+s4] =	stream.linear.scatter [tilespmem:s8], [sflag:$0x4], $0x80, $0x38;
	[tilespmem:$0xF800] =	vst v63  }
0xc2: {  	s13 =	sadd.s32 $0x30, s0;
	s31 =	simm.s32 $0xEB80  }
0xc3: {  	[hbm4b:s13+s4] =	stream.linear.scatter [tilespmem:s31], [sflag:$0x4], $0x80, $0x38;
	[tilespmem:$0xF800] =	vst v63  }
0xc4: {  	s7 =	sadd.s32 $0x40, s0;
	s8 =	simm.s32 $0xEC80  }
0xc5: {  	[hbm4b:s7+s4] =	stream.linear.scatter [tilespmem:s8], [sflag:$0x4], $0x80, $0x38;
	[tilespmem:$0xF800] =	vst v63  }
0xc6: {  	s13 =	sadd.s32 $0x50, s0;
	s31 =	simm.s32 $0xED80  }
0xc7: {  	[hbm4b:s13+s4] =	stream.linear.scatter [tilespmem:s31], [sflag:$0x4], $0x80, $0x38;
	[tilespmem:$0xF800] =	vst v63  }
0xc8: {  	s6 =	sadd.s32 $0x60, s0;
	s7 =	simm.s32 $0xEE80  }
0xc9: {  	[hbm4b:s6+s4] =	stream.linear.scatter [tilespmem:s7], [sflag:$0x4], $0x80, $0x38;
	[tilespmem:$0xF800] =	vst v63  }
0xca: {  	s8 =	sadd.s32 $0x70, s0  }
0xcb: {  	[hbm4b:s8+s4] =	stream.linear.scatter [tilespmem:s14], [sflag:$0x4], $0x80, $0x38;
	[tilespmem:$0xF800] =	vst v63  }
0xcc: {  	s13 =	sadd.s32 $0x80, s0  }
0xcd: {  	[hbm4b:s13+s4] =	stream.linear.scatter [tilespmem:s15], [sflag:$0x4], $0x80, $0x38;
	[tilespmem:$0xF800] =	vst v63  }
0xce: {  	s31 =	sadd.s32 $0x90, s0  }
0xcf: {  	[hbm4b:s31+s4] =	stream.linear.scatter [tilespmem:s16], [sflag:$0x4], $0x80, $0x38;
	[tilespmem:$0xF800] =	vst v63  }
0xd0: {  	s6 =	sadd.s32 $0xA0, s0  }
0xd1: {  	[hbm4b:s6+s4] =	stream.linear.scatter [tilespmem:s17], [sflag:$0x4], $0x80, $0x38;
	[tilespmem:$0xF800] =	vst v63  }
0xd2: {  	s7 =	sadd.s32 $0xB0, s0  }
0xd3: {  	[hbm4b:s7+s4] =	stream.linear.scatter [tilespmem:s18], [sflag:$0x4], $0x80, $0x38;
	[tilespmem:$0xF800] =	vst v63  }
0xd4: {  	s8 =	sadd.s32 $0xC0, s0  }
0xd5: {  	[hbm4b:s8+s4] =	stream.linear.scatter [tilespmem:s19], [sflag:$0x4], $0x80, $0x38;
	[tilespmem:$0xF800] =	vst v63  }
0xd6: {  	s13 =	sadd.s32 $0xD0, s0  }
0xd7: {  	[hbm4b:s13+s4] =	stream.linear.scatter [tilespmem:s20], [sflag:$0x4], $0x80, $0x38;
	[tilespmem:$0xF800] =	vst v63  }
.Ltmp5:
0xd8: {  	_ = 	snop;
	(pc) =	sbr.rel @p1 .LBB2_10-.Ltmp5, $4  }
0xd9: {  	s31 =	sadd.s32 $0xE0, s0  }
0xda: {  	[hbm4b:s31+s4] =	stream.linear.scatter [tilespmem:s21], [sflag:$0x4], $0x80, $0x38;
	[tilespmem:$0xF800] =	vst v63  }
0xdb: {  	s0 =	sadd.s32 $0xF0, s0  }
0xdc: {  	[hbm4b:s0+s4] =	stream.linear.scatter [tilespmem:s22], [sflag:$0x4], $0x80, $0x38;
	[tilespmem:$0xF800] =	vst v63  }
.Ltmp6:
0xdd: {  	(pc) =	sbr.rel .LBB2_4-.Ltmp6, $4  }
0xde: {  	_ = 	snop  }
0xdf: {  	s0 =	sshrl.u32 s29, $0x2;
	s28 =	sadd.s32 $0x1, s28  }
0xe0: {  	s26 =	sadd.s32 $0x100, s26;
	s24 =	sadd.s32 $0x100, s24;
	s0 =	sadd.s32 $0x180, s0  }
0xe1: {  	[tilespmem:s10], [sflag:$0x2] =	stream.indirect.gather [hbm4b:s2+s23], $0x80, s0, s23, $0xb8;
	[tilespmem:$0xF800] =	vst v63  }
.LBB2_11:
0xe2: {  	_ =	sfence.sel $0x180000  }
0xe3: {  	[bflag:$0x0] =	sbarrier.arrive $0xFFFF  }
0xe4: {  	_ =	strace $0x90000047  }
0xe5: {  	s0 =	stileid.u32;
	[bflag:$0x2] =	sbarrier.arrive $0xFFFF  }
0xe6: {  	p0 =	sne.s32 s0, $0x0;
	s0 =	rddreg [dreg:$0x2]  }
0xe7: {  	s0 =	sadd.s32 @!p0 $0x100000, s0  }
0xe8: {  	[sflag:s0] =	ssyncadd.tile.s32 @!p0 $0x1;
	_ =	shalt  }
.Lfunc_end2:
_tile_overlayer_lowered:
.L_overlay_start_2:
0xe9: {  	(tag) =	ssettag $0x2  }
0xea: {  	s0 =	rddreg [dreg:$0x0];
	s2 =	stileid.u32  }
0xeb: {  	s1 =	rddreg [dreg:$0x1];
	p0 =	sne.s32 s2, $0x0  }
0xec: {  	s3 =	rddreg [dreg:$0x2];
	[bflag:$0x3] =	sbarrier.arrive $0xFFFF;
	s2 =	simm.s32 @!p0 $0x1C05  }
0xed: {  	[timem:s3], [sflag:s2] =	dma.local @!p0 [hbm:s0], s1  }
0xee: {  	s0 =	simm.s32 @!p0 $0x5  }
0xef: {  	_ =	swait.ge @!p0 [sflag:s0], s1  }
0xf0: {  	s1 =	ssub.s32 @!p0 $0x0, s1;
	[sflag:s0] =	ssyncset.done @!p0 $0x0  }
0xf1: {  	[sflag:s0] =	ssyncadd.s32 @!p0 s1  }
0xf2: {  	[bflag:$0x3] =	sbarrier.arrive $0xFFFF  }
0xf3: {  	_ =	shalt  }

// kernel: sparse-core-data-format-call.cloned.1.call-start
scs
called_computation_lowered:
.L_overlay_start_0:
0x0: {  	s2 =	sld [smem:$0x3FD9]  }
0x1: {  	s3 =	sld [smem:$0x3FFE];
	_ =	sdelay $0x1  }
0x2: {  	s1 =	srdreg.scid  }
0x3: {  	s0 =	sand.u32 $0x1, s1  }
0x4: {  	s18 =	sshll.u32 s0, $0xA;
	s2 =	sadd.s32 s3, s2  }
0x5: {  	s2 =	sadd.s32 s2, s18  }
0x6: {  	[smem:$0x3FC5] =	sst s2  }
0x7: {  	_ = 	snop  }
0x8: {  	s2 =	sld [smem:$0x3FD0];
	(tm) =	ssettm $0x1  }
0x9: {  	s19 =	sld [smem:$0x3FFB];
	_ =	sdelay $0x3  }
0xa: {  	_ =	strace s19  }
0xb: {  	s3 =	sld [smem:$0x3FFC];
	_ =	sdelay $0x3  }
0xc: {  	_ =	strace s3  }
0xd: {  	s3 =	sld [smem:$0x3FFD];
	_ =	sdelay $0x3  }
0xe: {  	_ =	strace s3  }
0xf: {  	_ =	strace $0x8FFFFFFF  }
0x10: {  	s20 =	sld [smem:$0x3FDB];
	_ =	sdelay $0x1  }
0x11: {  	s4 =	simm.s32 $_scs_section_size  }
0x12: {  	s5 =	simm.s32 $_size__tile_overlayer_lowered;
	s6 =	simm.s32 $_tile_overlayer_lowered  }
0x13: {  	s23 =	simm.s32 $0x1BFF;
	s22 =	sshll.u32 s6, $0x1;
	s3 =	sadd.s32 s4, s20  }
0x14: {  	s7 =	simm.s32 $0x0;
	s21 =	sshll.u32 s5, $0x1;
	s5 =	sadd.s32 s22, s3  }
0x15: {  	[timem:s7], [sflag:s23] =	dma.local [hbm:s5], s21  }
0x16: {  	_ =	swait.ge [sflag:s23], s21  }
0x17: {  	s4 =	ssub.s32 $0x0, s21;
	[sflag:s23] =	ssyncset.done $0x0  }
0x18: {  	[sflag:s23] =	ssyncadd.s32 s4;
	_ =	sdelay $0x1  }
0x19: {  	s24 =	simm.s32 $0x1B8B  }
0x1a: {  	_ =	swait.ge [sflag:s24], $0x1  }
0x1b: {  	[sflag:s24] =	ssyncset.done $0x0  }
0x1c: {  	s26 =	simm.s32 $0x1B8E;
	s25 =	sld [smem:$0x3FFE];
	[sflag:s24] =	ssyncadd.s32 $0xFFFFFFFF  }
0x1d: {  	s27 =	simm.s32 $execute0_lowered;
	[smem:$0x3FD2] =	sst s26  }
0x1e: {  	s5 =	sshll.u32 s27, $0x1;
	_ =	strace $0x80000049;
	[dreg:$0x1] =	wrdreg $0xFFFFFFFF  }
0x1f: {  	s28 =	simm.s32 $_size_execute0_lowered;
	s3 =	sadd.s32 s3, s5;
	[dreg:$0x0] =	wrdreg $0x0  }
0x20: {  	s5 =	sshll.u32 s28, $0x1;
	[dreg:$0x2] =	wrdreg s3  }
0x21: {  	[dreg:$0x3] =	wrdreg s5  }
0x22: {  	[dreg:$0x4] =	wrdreg $0xC0  }
0x23: {  	_ =	task [dreg:s7], $0x5FFFF  }
0x24: {  	[dreg:$0x1] =	wrdreg $0xFFFFFFFF  }
0x25: {  	[dreg:$0x0] =	wrdreg $0x60  }
0x26: {  	[dreg:$0x2] =	wrdreg s25  }
0x27: {  	[dreg:$0x3] =	wrdreg s2  }
0x28: {  	[dreg:$0x4] =	wrdreg $0x9  }
0x29: {  	_ =	task.clear_ibuf [dreg:s7], $0x5FFFF;
	_ =	strace $0x90000049  }
0x2a: {  	s29 =	simm.s32 $0x9;
	_ =	strace $0x8000004B  }
0x2b: {  	_ =	swait.ge [sflag:s29], $0x1  }
0x2c: {  	[sflag:s29] =	ssyncadd.s32 $0xFFFFFFFF  }
0x2d: {  	_ =	strace $0x9000004B  }
0x2e: {  	_ =	sfence  }
0x2f: {  	s30 =	sld [smem:$0x0];
	_ =	sdelay $0x2  }
0x30: {  	s31 =	sshll.u32 s1, $0xD;
	s1 =	sshrl.u32 s1, $0x2  }
0x31: {  	s3 =	sand.u32 $0x4000, s31;
	s1 =	sadd.s32 s1, s30  }
0x32: {  	s0 =	sor.u32 s3, s0;
	s1 =	sshll.u32 s1, $0x11  }
0x33: {  	s0 =	sor.u32 s1, s0  }
0x34: {  	s0 =	sadd.s32 $0x8F2B, s0  }
0x35: {  	[sflag:s0] =	ssyncadd.remote.s32 $0x1  }
0x36: {  	_ =	sfence.sel $0xFFFF  }
0x37: {  	[dreg:$0x0] =	wrdreg $0xFFFFFFFF;
	(pc) =	sbr.abs _section_cstart, $3  }
0x38: {  	[dreg:$0x1] =	wrdreg $0xFFFFFFFF  }
0x39: {  	_ =	task.clear_ibuf [dreg:s7], $0x2FFFF;
	_ =	strace $0x9FFFFFFF  }
0x3a: {  	(tm) =	ssettm $0x7FFFFFFF  }
0x3b: {  	_ =	shalt  }
tec
execute0_lowered:
.L_overlay_start_1:
0x0: {  	(tag) =	ssettag $0x1  }
0x1: {  	s0 =	srdreg.scid  }
0x2: {  	s1 =	sshll.u32 s0, $0x4  }
0x3: {  	s0 =	stileid.u32;
	s1 =	sand.u32 $0x10, s1  }
0x4: {  	s1 =	sor.u32 s0, s1  }
0x5: {  	s6 =	rddreg [dreg:$0x0];
	s4 =	simm.s32 $0x1;
	s2 =	sshll.u32 s1, $0x7  }
0x6: {  	s7 =	simm.s32 $0x2;
	s12 =	simm.s32 $0x0;
	s1 =	ssub.s32 $0x4000, s2  }
0x7: {  	s8 =	simm.s32 $0x20000;
	s13 =	simm.s32 $0x0;
	s3 =	sand.u32 $0xF80, s1  }
0x8: {  	s9 =	simm.s32 $0x0;
	s5 =	sshrl.u32 s1, $0xC;
	p0 =	sne.s32 s3, $0x0  }
.Ltmp0:
0x9: {  	s1 =	rddreg [dreg:$0x2];
	s4 =	simm.s32 @!p0 $0x0;
	(pc) =	sbr.rel .LBB1_1-.Ltmp0, $4  }
0xa: {  	s11 =	simm.s32 $0x0;
	s3 =	rddreg [dreg:$0x1];
	s5 =	sadd.s32 s4, s5  }
0xb: {  	_ =	strace $0x8000004A;
	s4 =	simm.s32 $0x1;
	s5 =	smul.u32 $0x1A, s5  }
0xc: {  	s6 =	sadd.s32 $0xC00, s6;
	s10 =	smov.u32 s2;
	[sflag:s4] =	ssyncpa.u1 $0x0  }
0xd: {  	p0 =	por $0x0, $0x0;
	[sflag:s7] =	ssyncpa.u1 $0x0;
	s7 =	sor.u32 $0x1, s5  }
.LBB1_4:
0xe: {  	s16 =	sshll.u32 s13, $0x3;
	s17 =	sand.u32 $0x78, s13  }
0xf: {  	s30 =	sand.u32 $0x1F800, s13;
	s12 =	sshll.u32 s12, $0x11;
	s16 =	sand.u32 $0x3C00, s16  }
0x10: {  	[tilespmem:s15+$0x810 ss:$0x81] =	vst.msk $0xffff, v2;
	s31 =	sand.u32 $0x7, s13;
	s16 =	sor.u32 s17, s16;
	s17 =	sadd.s32 s3, s30  }
0x11: {  	[tilespmem:s15+$0x1020 ss:$0x81] =	vst.msk $0xffff, v0;
	s13 =	sshll.u32 s31, $0x12;
	s12 =	sadd.s32 s12, s17;
	s16 =	sshrl.u32 s16, $0x3  }
0x12: {  	[tilespmem:s15+$0x0 ss:$0x81] =	vst.msk $0xffff, v1;
	s13 =	sor.u32 $0x400, s13;
	s12 =	sadd.s32 s16, s12  }
0x13: {  	[hbm4b:s12+s13] =	stream.strided.scatter [tilespmem:s14], [sflag:$0x2], $0x2000, s8, s13, $0x20;
	[tilespmem:$0x8080] =	vst v63  }
.LBB1_5:
0x14: {  	s14 =	sadd.s32 $0x1, s9  }
0x15: {  	s12 =	sadd.s32 $0x1000, s10;
	s16 =	smov.u32 s10;
	p2 =	sgt.s32 s14, $0x19  }
0x16: {  	s16 =	smov.u32 @p2 s12  }
0x17: {  	s14 =	simm.s32 @p2 $0x0;
	p2 =	sgt.s32 s16, $0x3FFF  }
0x18: {  	s16 =	smov.u32 @p2 s2;
	p2 =	sne.s32 s11, s7  }
.Ltmp1:
0x19: {  	p1 =	slt.u32 s11, $0x2;
	(pc) =	sbr.rel @!p2 .LBB1_6-.Ltmp1, $4  }
0x1a: {  	s15 =	simm.s32 @!p1 $0x2  }
0x1b: {  	s13 =	smov.u32 s10;
	p0 =	por !p0, !p0;
	_ =	swait.ge @!p1 [sflag:s15], $0x2000  }
0x1c: {  	s12 =	smov.u32 s9;
	[sflag:s15] =	ssyncset.done @!p1 $0x0;
	s9 =	smov.u32 s14  }
0x1d: {  	s11 =	sadd.s32 $0x1, s11;
	[sflag:s15] =	ssyncadd.s32 @!p1 $0xFFFFE000;
	s10 =	smov.u32 s16  }
.LBB1_1:
0x1e: {  	p1 =	sge.u32 s11, s5  }
0x1f: {  	s31 =	sadd.s32 $0xFFFFFFFF, s11;
	s14 =	sxor.u32 @!p1 $0xFFFFFFFF, s11  }
0x20: {  	s15 =	sshll.u32 @!p1 s10, $0x9;
	s16 =	sshll.u32 @!p1 s9, $0x4;
	s17 =	simm.s32 @!p1 $0x1000  }
0x21: {  	s14 =	sshll.u32 @!p1 s14, $0xD;
	s16 =	sand.u32 @!p1 $0x1F0, s16;
	s15 =	sadd.s32 @!p1 s6, s15  }
0x22: {  	s14 =	sand.u32 @!p1 $0x2000, s14;
	s15 =	sadd.s32 @!p1 s16, s15;
	s16 =	simm.s32 @!p1 $0x40  }
0x23: {  	[tilespmem:s14], [sflag:$0x1] =	stream.strided.gather @!p1 [hbm4b:s15+s16], $0x2000, s17, s16, $0x38;
	[tilespmem:$0x8080] =	vst v63  }
0x24: {  	p1 =	sge.u32 s31, s5  }
.Ltmp2:
0x25: {  	_ = 	snop;
	(pc) =	sbr.rel @p1 .LBB1_5-.Ltmp2, $1  }
0x26: {  	_ =	sdelay $0x3  }
0x27: {  	s14 =	simm.s32 $0x1  }
0x28: {  	_ =	swait.ge [sflag:s4], $0x2000;
	s14 =	simm.s32 @!p0 $0x0  }
0x29: {  	[sflag:s4] =	ssyncset.done $0x0;
	s15 =	sshll.u32 s14, $0xD  }
0x2a: {  	[sflag:s4] =	ssyncadd.s32 $0xFFFFE000;
	s18 =	sor.u32 $0x20, s15  }
0x2b: {  	s14 =	smul.u32 $0x8100, s14;
	v3 =	vld [tilespmem:s18+$0x10]  }
0x2c: {  	s30 =	sand.u32 $0x1, s11;
	v2 =	vld [tilespmem:s18+$0xFFFFFFF0]  }
0x2d: {  	s15 =	smul.u32 $0x8100, s30;
	s14 =	sshrl.u32 s14, $0x2;
	v0 =	vld [tilespmem:s18+$0x0]  }
0x2e: {  	v1 =	vld [tilespmem:s18+$0xFFFFFFE0];
	s16 =	sor.u32 $0x4000, s14  }
0x2f: {  	s31 =	sshrl.u32 s15, $0x2;
	s15 =	sadd.s32 $0x0, s16  }
0x30: {  	s17 =	simm.s32 $0x4;
	s18 =	sadd.s32 $0x40, s18;
	s14 =	sor.u32 $0x4000, s31;
	[tilespmem:s15+$0x1830 ss:$0x81] =	vst.msk $0xffff, v3  }
.LBB1_3:
0x31: {  	v3 =	vld [tilespmem:s18+$0x10];
	p1 =	sne.s32 s17, $0x1FC;
	[tilespmem:s15+$0x810 ss:$0x81] =	vst.msk $0xffff, v2;
	s19 =	smov.u32 s17;
	s17 =	sadd.s32 $0x4, s17  }
.Ltmp3:
0x32: {  	v2 =	vld [tilespmem:s18+$0xFFFFFFF0];
	[tilespmem:s15+$0x1020 ss:$0x81] =	vst.msk $0xffff, v0;
	(pc) =	sbr.rel @p1 .LBB1_3-.Ltmp3, $4  }
0x33: {  	v0 =	vld [tilespmem:s18+$0x0];
	[tilespmem:s15+$0x0 ss:$0x81] =	vst.msk $0xffff, v1  }
0x34: {  	s15 =	sshra.s32 s19, $0x2;
	v1 =	vld [tilespmem:s18+$0xFFFFFFE0]  }
0x35: {  	s15 =	sadd.s32 s15, s16  }
0x36: {  	s18 =	sadd.s32 $0x40, s18;
	[tilespmem:s15+$0x1830 ss:$0x81] =	vst.msk $0xffff, v3  }
.Ltmp4:
0x37: {  	_ = 	snop;
	(pc) =	sbr.rel .LBB1_4-.Ltmp4, $1  }
0x38: {  	_ =	sdelay $0x3  }
.LBB1_6:
0x39: {  	_ =	sfence.sel $0x180000  }
0x3a: {  	s2 =	simm.s32 $0x1;
	[bflag:$0x0] =	sbarrier.arrive $0xFFFF  }
0x3b: {  	s31 =	simm.s32 $0x2;
	[sflag:s2] =	ssyncpa.u1 $0x1  }
0x3c: {  	[sflag:s31] =	ssyncpa.u1 $0x1  }
0x3d: {  	p0 =	sne.s32 s0, $0x0;
	_ =	strace $0x9000004A  }
0x3e: {  	s0 =	sadd.s32 @!p0 $0x100000, s1;
	[bflag:$0x2] =	sbarrier.arrive $0xFFFF  }
0x3f: {  	[sflag:s0] =	ssyncadd.tile.s32 @!p0 $0x1;
	_ =	shalt  }
.Lfunc_end1:
_tile_overlayer_lowered:
.L_overlay_start_2:
0x40: {  	(tag) =	ssettag $0x2  }
0x41: {  	s0 =	rddreg [dreg:$0x0];
	s2 =	stileid.u32  }
0x42: {  	s1 =	rddreg [dreg:$0x1];
	p0 =	sne.s32 s2, $0x0  }
0x43: {  	s3 =	rddreg [dreg:$0x2];
	[bflag:$0x3] =	sbarrier.arrive $0xFFFF;
	s2 =	simm.s32 @!p0 $0x1C01  }
0x44: {  	[timem:s3], [sflag:s2] =	dma.local @!p0 [hbm:s0], s1  }
0x45: {  	s0 =	simm.s32 @!p0 $0x1  }
0x46: {  	_ =	swait.ge @!p0 [sflag:s0], s1  }
0x47: {  	s1 =	ssub.s32 @!p0 $0x0, s1;
	[sflag:s0] =	ssyncset.done @!p0 $0x0  }
0x48: {  	[sflag:s0] =	ssyncadd.s32 @!p0 s1  }
0x49: {  	[bflag:$0x3] =	sbarrier.arrive $0xFFFF  }
0x4a: {  	_ =	shalt  }

</sc_bundles>
